<compile_context>
chip_gen: v7x
topology: tpu7x:2x2x1
jax: 0.10.2.dev20260603
libtpu: 0.0.44.dev20260713+nightly
codegen_flags: <defaults>
</compile_context>

<pallas_src>
import functools

import jax
import jax.numpy as jnp
from jax import lax
from jax.experimental import pallas as pl
from jax.experimental.pallas import tpu as pltpu
from jax.experimental.pallas import tpu_sc as plsc

B = 8
N = 4096
M = 1024
K = 16
IN_DIM = 128
DIM = 256
TROW = 144
R2 = 128
R4 = 128

NC = 2
NS = 16
NW = NC * NS
CH = 128
NCHUNK = (B * M * K) // (NW * CH)


def _fps_body(px_ref, py_ref, pz_ref, fx_ref, fy_ref, fz_ref):
    px = px_ref[...]
    py = py_ref[...]
    pz = pz_ref[...]
    lanes_n = lax.broadcasted_iota(jnp.int32, (B, N), 1)
    lanes_m = lax.broadcasted_iota(jnp.int32, (B, M), 1)

    def body(i, st):
        dists, far, fx, fy, fz = st
        sel = (lanes_n == far).astype(jnp.float32)
        cx = jnp.sum(px * sel, axis=1, keepdims=True)
        cy = jnp.sum(py * sel, axis=1, keepdims=True)
        cz = jnp.sum(pz * sel, axis=1, keepdims=True)
        hit = lanes_m == i
        fx = jnp.where(hit, cx, fx)
        fy = jnp.where(hit, cy, fy)
        fz = jnp.where(hit, cz, fz)
        dx = px - cx
        dy = py - cy
        dz = pz - cz
        d = (dx * dx + dz * dz) + dy * dy
        dists = jnp.minimum(dists, d)
        mx = jnp.max(dists, axis=1, keepdims=True)
        far = jnp.min(jnp.where(dists == mx, lanes_n, N), axis=1, keepdims=True)
        return dists, far, fx, fy, fz

    init = (
        jnp.full((B, N), 1e10, jnp.float32),
        jnp.zeros((B, 1), jnp.int32),
        jnp.zeros((B, M), jnp.float32),
        jnp.zeros((B, M), jnp.float32),
        jnp.zeros((B, M), jnp.float32),
    )
    _, _, fx, fy, fz = lax.fori_loop(0, M, body, init)
    fx_ref[...] = fx
    fy_ref[...] = fy
    fz_ref[...] = fz


def _knn_body(pc1_ref, pc2t_ref, gidx_ref):
    bidx = pl.program_id(0)
    pc1 = pc1_ref[0]
    pc2t = pc2t_ref[0]
    d1 = jnp.sum(pc1 * pc1, axis=1, keepdims=True)
    d2 = jnp.sum(pc2t * pc2t, axis=0, keepdims=True)
    inner = jnp.dot(pc1, pc2t, preferred_element_type=jnp.float32)
    mat = (d1 + d2) - 2.0 * inner
    lanes = lax.broadcasted_iota(jnp.int32, (R2, N), 1)
    klanes = lax.broadcasted_iota(jnp.int32, (R2, K), 1)
    idx_acc = jnp.zeros((R2, K), jnp.int32)
    inf = jnp.float32(jnp.inf)
    for t in range(K):
        m = jnp.min(mat, axis=1, keepdims=True)
        idx = jnp.min(jnp.where(mat == m, lanes, N), axis=1, keepdims=True)
        idx_acc = jnp.where(klanes == t, idx, idx_acc)
        mat = jnp.where(lanes == idx, inf, mat)
    gidx_ref[0] = idx_acc + bidx * N


def _premix_body(x_ref, w_ref, o_ref):
    o_ref[...] = jnp.dot(x_ref[...], w_ref[...],
                         preferred_element_type=jnp.float32)


def _sc_gather_body(table_hbm, idx_hbm, out_hbm, idxv, rowsv, sem):
    c = lax.axis_index("c")
    s = lax.axis_index("s")
    wid = s * NC + c
    pltpu.sync_copy(idx_hbm.at[wid], idxv)

    def chunk(j, carry):
        pltpu.async_copy(table_hbm.at[idxv.at[j]], rowsv, sem).wait()
        pltpu.sync_copy(rowsv, out_hbm.at[pl.ds((wid * NCHUNK + j) * CH, CH)])
        return carry

    lax.fori_loop(0, NCHUNK, chunk, 0)


@functools.cache
def _sc_gather():
    return pl.kernel(
        _sc_gather_body,
        out_type=jax.ShapeDtypeStruct((B * M * K, DIM), jnp.float32),
        mesh=plsc.VectorSubcoreMesh(
            core_axis_name="c", subcore_axis_name="s", num_cores=NC),
        scratch_types=[
            pltpu.VMEM((NCHUNK, CH), jnp.int32),
            pltpu.VMEM((CH, DIM), jnp.float32),
            pltpu.SemaphoreType.DMA,
        ],
    )


def _mlp_body(g_ref, pc1_ref, w1pc_ref, b1_ref, w2_ref, b2_ref, out_ref):
    g = g_ref[...]
    corr = jnp.dot(pc1_ref[...], w1pc_ref[...],
                   preferred_element_type=jnp.float32)
    corr16 = jnp.broadcast_to(corr[:, None, :], (R4, K, DIM)).reshape(R4 * K, DIM)
    h = jnp.maximum(g + b1_ref[...] - corr16, 0.0)
    h = jnp.dot(h, w2_ref[...], preferred_element_type=jnp.float32)
    out_ref[...] = jnp.max(h.reshape(R4, K, DIM), axis=1) + b2_ref[...]


def kernel(dec_x, dec_pc, enc_x, enc_pc, W1, b1, W2, b2):
    f32 = jnp.float32
    pcT = jnp.transpose(dec_pc, (0, 2, 1))

    fx, fy, fz = pl.pallas_call(
        _fps_body,
        out_shape=[jax.ShapeDtypeStruct((B, M), f32)] * 3,
    )(pcT[:, 0], pcT[:, 1], pcT[:, 2])
    pc_fps = jnp.stack([fx, fy, fz], axis=-1)

    pc1p = jnp.concatenate([pc_fps, jnp.zeros((B, M, 5), f32)], axis=-1)
    pc2t = jnp.concatenate([pcT, jnp.zeros((B, 5, N), f32)], axis=1)
    gidx = pl.pallas_call(
        _knn_body,
        grid=(B, M // R2),
        in_specs=[
            pl.BlockSpec((1, R2, 8), lambda b, t: (b, t, 0)),
            pl.BlockSpec((1, 8, N), lambda b, t: (b, 0, 0)),
        ],
        out_specs=pl.BlockSpec((1, R2, K), lambda b, t: (b, t, 0)),
        out_shape=jax.ShapeDtypeStruct((B, M, K), jnp.int32),
    )(pc1p, pc2t)

    X = jnp.concatenate(
        [dec_x, dec_pc, jnp.zeros((B, N, TROW - IN_DIM - 3), f32)], axis=-1
    ).reshape(B * N, TROW)
    W1pad = jnp.concatenate(
        [W1[3:], W1[:3], jnp.zeros((TROW - IN_DIM - 3, DIM), f32)], axis=0)
    table = pl.pallas_call(
        _premix_body,
        grid=(B * N // 1024,),
        in_specs=[
            pl.BlockSpec((1024, TROW), lambda t: (t, 0)),
            pl.BlockSpec((TROW, DIM), lambda t: (0, 0)),
        ],
        out_specs=pl.BlockSpec((1024, DIM), lambda t: (t, 0)),
        out_shape=jax.ShapeDtypeStruct((B * N, DIM), f32),
    )(X, W1pad)
    g = _sc_gather()(table, gidx.reshape(NW, NCHUNK, CH))

    W1pcp = jnp.concatenate([W1[:3], jnp.zeros((5, DIM), f32)], axis=0)
    out = pl.pallas_call(
        _mlp_body,
        grid=(B * M // R4,),
        in_specs=[
            pl.BlockSpec((R4 * K, DIM), lambda t: (t, 0)),
            pl.BlockSpec((R4, 8), lambda t: (t, 0)),
            pl.BlockSpec((8, DIM), lambda t: (0, 0)),
            pl.BlockSpec((1, DIM), lambda t: (0, 0)),
            pl.BlockSpec((DIM, DIM), lambda t: (0, 0)),
            pl.BlockSpec((1, DIM), lambda t: (0, 0)),
        ],
        out_specs=pl.BlockSpec((R4, DIM), lambda t: (t, 0)),
        out_shape=jax.ShapeDtypeStruct((B * M, DIM), f32),
    )(g, pc1p.reshape(B * M, 8), W1pcp,
      b1.reshape(1, DIM), W2, b2.reshape(1, DIM))

    return (out.reshape(B, M, DIM), pc_fps, enc_x, enc_pc)

# --- scband reference (transcript-rebuilt; emitter-appended) ---
"""Pipeline reference for scband-decoder-grp-30382598652304 (READ-ONLY COPY).

The authoritative reference and input builder live on the scoring server;
editing this copy changes nothing except your own understanding.
"""

import jax, jax.numpy as jnp
import numpy as np

IN_DIM = 128
DIM = 256
DOWN_RATIO = 4
KNN = 16
B = 8
N = 4096
NE = 512


def dist_mat(pc1, pc2):
    d1 = jnp.sum(pc1 ** 2, axis=-1)[:, :, None]
    d2 = jnp.sum(pc2 ** 2, axis=-1)[:, None, :]
    inner = jnp.einsum('bmc,bnc->bmn', pc1, pc2)
    return d1 + d2 - 2.0 * inner


def batched_index(x, idx):
    # x: [B, N, C], idx: [B, M, K] int -> [B, M, K, C]
    return jax.vmap(lambda a, i: a[i])(x, idx)


def fps_indices(pc, m):
    n = pc.shape[1]

    def single(p):
        def body(i, state):
            dists, farthest, idxs = state
            idxs = idxs.at[i].set(farthest)
            centroid = p[farthest]
            d = jnp.sum((p - centroid) ** 2, axis=-1)
            dists = jnp.minimum(dists, d)
            farthest = jnp.argmax(dists).astype(jnp.int32)
            return (dists, farthest, idxs)

        dists0 = jnp.full((n,), 1e10, dtype=p.dtype)
        idxs0 = jnp.zeros((m,), dtype=jnp.int32)
        _, _, idxs = jax.lax.fori_loop(0, m, body, (dists0, jnp.int32(0), idxs0))
        return idxs

    return jax.vmap(single)(pc)


def fps(pc, m):
    idxs = jax.lax.stop_gradient(fps_indices(pc, m))
    return batched_index(pc, idxs)


def query_group(x, pc1, pc2, grp_size, cat_pc=False):
    mat = dist_mat(pc1, pc2)
    # torch.topk(mat, k, largest=False, sorted=True) == top_k of negated distances
    _, knn_indx = jax.lax.top_k(-mat, grp_size)
    knn_pc = batched_index(pc2, knn_indx)
    knn_pc = knn_pc - pc1[:, :, None, :]
    knn_x = batched_index(x, knn_indx)
    if cat_pc:
        return jnp.concatenate([knn_pc, knn_x], axis=-1)
    return knn_x


def setup_inputs(seed: int = 0) -> dict:
    key = jax.random.key(seed)
    ks = jax.random.split(key, 8)
    dec_x = jax.random.normal(ks[0], (B, N, IN_DIM), dtype=jnp.float32)
    dec_pc = jax.random.uniform(ks[1], (B, N, 3), dtype=jnp.float32)
    enc_x = jax.random.normal(ks[2], (B, NE, IN_DIM), dtype=jnp.float32)
    enc_pc = jax.random.uniform(ks[3], (B, NE, 3), dtype=jnp.float32)
    W1 = jax.random.normal(ks[4], (3 + IN_DIM, DIM), dtype=jnp.float32) * 0.02
    b1 = jnp.zeros((DIM,), dtype=jnp.float32)
    W2 = jax.random.normal(ks[5], (DIM, DIM), dtype=jnp.float32) * 0.02
    b2 = jnp.zeros((DIM,), dtype=jnp.float32)
    return {"dec_x": dec_x, "dec_pc": dec_pc, "enc_x": enc_x, "enc_pc": enc_pc,
            "W1": W1, "b1": b1, "W2": W2, "b2": b2}


def reference(dec_x, dec_pc, enc_x, enc_pc, W1, b1, W2, b2):
    if DOWN_RATIO != 1:
        pc_fps = fps(dec_pc, N // DOWN_RATIO)
    else:
        pc_fps = dec_pc
    g = query_group(dec_x, pc_fps, dec_pc, KNN, cat_pc=True)
    h = jnp.maximum(jnp.einsum('bmkc,cd->bmkd', g, W1) + b1, 0.0)
    h = jnp.einsum('bmkd,de->bmke', h, W2) + b2
    out = jnp.max(h, axis=-2)
    return (out, pc_fps, enc_x, enc_pc)

if __name__ == "__main__":
    import jax
    _d = setup_inputs()
    print(jax.jit(kernel)(*tuple(_d.values())))

</pallas_src>

<mosaic_0001>
#map = affine_map<(d0, d1) -> (0, 0)>
#map1 = affine_map<(d0, d1) -> (0, 0, 0)>
module attributes {stable_mosaic.version = 14 : i64} {
  func.func @_sc_gather_body(%arg0: i32, %arg1: i32, %arg2: memref<32768x256xf32, #tpu.memory_space<hbm>>, %arg3: memref<32x32x128xi32, #tpu.memory_space<hbm>>, %arg4: memref<131072x256xf32, #tpu.memory_space<hbm>>, %arg5: memref<32x128xi32, #tpu.memory_space<vmem>>, %arg6: memref<128x256xf32, #tpu.memory_space<vmem>>, %arg7: memref<!tpu.dma_semaphore, #tpu.memory_space<semaphore_mem>>) attributes {dimension_semantics = [#tpu.dimension_semantics<core_parallel>, #tpu.dimension_semantics<subcore_parallel>], iteration_bounds = array<i64: 2, 16>, scalar_prefetch = 0 : i64, scratch_operands = 3 : i64, tpu.core_type = #tpu.core_type<sc_vector_subcore>, window_params = [{transform_indices = #map}, {transform_indices = #map1}, {transform_indices = #map}]} {
    %mul3A = arith.constant 2 : i32
    %mul3A_0 = arith.muli %arg1, %mul3A : i32
    %add3A = arith.addi %mul3A_0, %arg0 : i32
    "tpu.region"() ({
      %run_scoped3A = tpu.sem_alloc : memref<!tpu.dma_semaphore, #tpu.memory_space<semaphore_mem>>
      %dma_start3A = arith.constant 0 : i32
      %dma_start3A_6 = arith.constant 0 : i32
      %dma_start3A_7 = tpu.memref_slice %arg3[%add3A, %dma_start3A, %dma_start3A_6] : memref<32x32x128xi32, #tpu.memory_space<hbm>> -> memref<1x32x128xi32, #tpu.memory_space<hbm>>
      %dma_start3A_8 = tpu.memref_squeeze %dma_start3A_7 : memref<1x32x128xi32, #tpu.memory_space<hbm>> -> memref<32x128xi32, #tpu.memory_space<hbm>>
      %dma_start3A_9 = arith.constant 0 : i32
      %dma_start3A_10 = arith.constant 0 : i32
      %dma_start3A_11 = tpu.memref_slice %arg3[%add3A, %dma_start3A_9, %dma_start3A_10] : memref<32x32x128xi32, #tpu.memory_space<hbm>> -> memref<1x32x128xi32, #tpu.memory_space<hbm>>
      %dma_start3A_12 = tpu.memref_squeeze %dma_start3A_11 : memref<1x32x128xi32, #tpu.memory_space<hbm>> -> memref<32x128xi32, #tpu.memory_space<hbm>>
      tpu.enqueue_dma source(%dma_start3A_12 : memref<32x128xi32, #tpu.memory_space<hbm>>) target(%arg5 : memref<32x128xi32, #tpu.memory_space<vmem>>) target_semaphore(%run_scoped3A : memref<!tpu.dma_semaphore, #tpu.memory_space<semaphore_mem>>)
      %dma_wait3A = arith.constant 0 : i32
      %dma_wait3A_13 = arith.constant 0 : i32
      %dma_wait3A_14 = tpu.memref_slice %arg3[%add3A, %dma_wait3A, %dma_wait3A_13] : memref<32x32x128xi32, #tpu.memory_space<hbm>> -> memref<1x32x128xi32, #tpu.memory_space<hbm>>
      %dma_wait3A_15 = tpu.memref_squeeze %dma_wait3A_14 : memref<1x32x128xi32, #tpu.memory_space<hbm>> -> memref<32x128xi32, #tpu.memory_space<hbm>>
      %dma_wait3A_16 = arith.constant 0 : i32
      %dma_wait3A_17 = arith.constant 0 : i32
      %dma_wait3A_18 = tpu.memref_slice %arg3[%add3A, %dma_wait3A_16, %dma_wait3A_17] : memref<32x32x128xi32, #tpu.memory_space<hbm>> -> memref<1x32x128xi32, #tpu.memory_space<hbm>>
      %dma_wait3A_19 = tpu.memref_squeeze %dma_wait3A_18 : memref<1x32x128xi32, #tpu.memory_space<hbm>> -> memref<32x128xi32, #tpu.memory_space<hbm>>
      tpu.wait_dma2 semaphore(%run_scoped3A : memref<!tpu.dma_semaphore, #tpu.memory_space<semaphore_mem>>) src(%dma_wait3A_19 : memref<32x128xi32, #tpu.memory_space<hbm>>) dst(%arg5 : memref<32x128xi32, #tpu.memory_space<vmem>>)
      tpu.yield
    }) : () -> ()
    %scan3A = arith.constant 0 : i32
    %scan3A_1 = arith.constant 0 : i32
    %scan3A_2 = arith.constant 32 : i32
    %scan3A_3 = arith.addi %scan3A_1, %scan3A_2 : i32
    %scan3A_4 = arith.constant 1 : i32
    scf.for %scan3A_6 = %scan3A_1 to %scan3A_3 step %scan3A_4  : i32 {
      %dma_start3A = arith.constant 0 : i32
      %dma_start3A_7 = tpu.memref_slice %arg5[%scan3A_6, %dma_start3A] : memref<32x128xi32, #tpu.memory_space<vmem>> -> memref<1x128xi32, #tpu.memory_space<vmem>>
      %dma_start3A_8 = tpu.memref_squeeze %dma_start3A_7 : memref<1x128xi32, #tpu.memory_space<vmem>> -> memref<128xi32, #tpu.memory_space<vmem>>
      %dma_start3A_9 = arith.constant 0 : i32
      %dma_start3A_10 = arith.constant 0 : i32
      %dma_start3A_11 = tpu.memref_slice %arg2[%dma_start3A_9, %dma_start3A_10] : memref<32768x256xf32, #tpu.memory_space<hbm>> -> memref<32768x256xf32, #tpu.memory_space<hbm>>
      tpu.enqueue_indirect_dma source(%dma_start3A_11 : memref<32768x256xf32, #tpu.memory_space<hbm>>) target(%arg6 : memref<128x256xf32, #tpu.memory_space<vmem>>) offsets(%dma_start3A_8 : memref<128xi32, #tpu.memory_space<vmem>>) semaphore(%arg7 : memref<!tpu.dma_semaphore, #tpu.memory_space<semaphore_mem>>)
      %dma_wait3A = arith.constant 0 : i32
      %dma_wait3A_12 = tpu.memref_slice %arg5[%scan3A_6, %dma_wait3A] : memref<32x128xi32, #tpu.memory_space<vmem>> -> memref<1x128xi32, #tpu.memory_space<vmem>>
      %dma_wait3A_13 = tpu.memref_squeeze %dma_wait3A_12 : memref<1x128xi32, #tpu.memory_space<vmem>> -> memref<128xi32, #tpu.memory_space<vmem>>
      %dma_wait3A_14 = arith.constant 0 : i32
      %dma_wait3A_15 = arith.constant 0 : i32
      %dma_wait3A_16 = tpu.memref_slice %arg2[%dma_wait3A_14, %dma_wait3A_15] : memref<32768x256xf32, #tpu.memory_space<hbm>> -> memref<32768x256xf32, #tpu.memory_space<hbm>>
      tpu.wait_indirect_dma semaphore(%arg7 : memref<!tpu.dma_semaphore, #tpu.memory_space<semaphore_mem>>) src(%dma_wait3A_16 : memref<32768x256xf32, #tpu.memory_space<hbm>>) dst(%arg6 : memref<128x256xf32, #tpu.memory_space<vmem>>)
      %mul3A_17 = arith.constant 32 : i32
      %mul3A_18 = arith.muli %add3A, %mul3A_17 : i32
      %add3A_19 = arith.addi %mul3A_18, %scan3A_6 : i32
      %mul3A_20 = arith.constant 128 : i32
      %mul3A_21 = arith.muli %add3A_19, %mul3A_20 : i32
      "tpu.region"() ({
        %run_scoped3A = tpu.sem_alloc : memref<!tpu.dma_semaphore, #tpu.memory_space<semaphore_mem>>
        %dma_start3A_22 = arith.constant 0 : i32
        %dma_start3A_23 = tpu.memref_slice %arg4[%mul3A_21, %dma_start3A_22] : memref<131072x256xf32, #tpu.memory_space<hbm>> -> memref<128x256xf32, #tpu.memory_space<hbm>>
        %dma_start3A_24 = arith.constant 0 : i32
        %dma_start3A_25 = tpu.memref_slice %arg4[%mul3A_21, %dma_start3A_24] : memref<131072x256xf32, #tpu.memory_space<hbm>> -> memref<128x256xf32, #tpu.memory_space<hbm>>
        tpu.enqueue_dma source(%arg6 : memref<128x256xf32, #tpu.memory_space<vmem>>) target(%dma_start3A_25 : memref<128x256xf32, #tpu.memory_space<hbm>>) target_semaphore(%run_scoped3A : memref<!tpu.dma_semaphore, #tpu.memory_space<semaphore_mem>>)
        %dma_wait3A_26 = arith.constant 0 : i32
        %dma_wait3A_27 = tpu.memref_slice %arg4[%mul3A_21, %dma_wait3A_26] : memref<131072x256xf32, #tpu.memory_space<hbm>> -> memref<128x256xf32, #tpu.memory_space<hbm>>
        %dma_wait3A_28 = arith.constant 0 : i32
        %dma_wait3A_29 = tpu.memref_slice %arg4[%mul3A_21, %dma_wait3A_28] : memref<131072x256xf32, #tpu.memory_space<hbm>> -> memref<128x256xf32, #tpu.memory_space<hbm>>
        tpu.wait_dma2 semaphore(%run_scoped3A : memref<!tpu.dma_semaphore, #tpu.memory_space<semaphore_mem>>) src(%arg6 : memref<128x256xf32, #tpu.memory_space<vmem>>) dst(%dma_wait3A_29 : memref<128x256xf32, #tpu.memory_space<hbm>>)
        tpu.yield
      }) : () -> ()
    }
    %scan3A_5 = arith.constant 32 : i32
    return
  }
}

module attributes {stable_mosaic.version = 14 : i64} {
  func.func @_fps_body(%arg0: memref<8x4096xf32, #tpu.memory_space<vmem>>, %arg1: memref<8x4096xf32, #tpu.memory_space<vmem>>, %arg2: memref<8x4096xf32, #tpu.memory_space<vmem>>, %arg3: memref<8x1024xf32, #tpu.memory_space<vmem>>, %arg4: memref<8x1024xf32, #tpu.memory_space<vmem>>, %arg5: memref<8x1024xf32, #tpu.memory_space<vmem>>) attributes {dimension_semantics = [], scalar_prefetch = 0 : i64, scratch_operands = 0 : i64, tpu.core_type = #tpu.core_type<tc>} {
    %get3A = arith.constant 0 : index
    %get3A_0 = arith.constant 0 : index
    %get3A_1 = vector.load %arg0[%get3A, %get3A_0] : memref<8x4096xf32, #tpu.memory_space<vmem>>, vector<8x4096xf32>
    %get3A_2 = arith.constant 0 : index
    %get3A_3 = arith.constant 0 : index
    %get3A_4 = vector.load %arg1[%get3A_2, %get3A_3] : memref<8x4096xf32, #tpu.memory_space<vmem>>, vector<8x4096xf32>
    %get3A_5 = arith.constant 0 : index
    %get3A_6 = arith.constant 0 : index
    %get3A_7 = vector.load %arg2[%get3A_5, %get3A_6] : memref<8x4096xf32, #tpu.memory_space<vmem>>, vector<8x4096xf32>
    %iota3A = tpu.iota {dimensions = array<i32: 1>} : vector<8x4096xi32>
    %iota3A_8 = tpu.iota {dimensions = array<i32: 1>} : vector<8x1024xi32>
    %broadcast_in_dim3A = arith.constant 1.000000e+10 : f32
    %broadcast_in_dim3A_9 = vector.broadcast %broadcast_in_dim3A : f32 to vector<8x4096xf32>
    %broadcast_in_dim3A_10 = arith.constant 0 : i32
    %broadcast_in_dim3A_11 = vector.broadcast %broadcast_in_dim3A_10 : i32 to vector<8x1xi32>
    %broadcast_in_dim3A_12 = arith.constant 0.000000e+00 : f32
    %broadcast_in_dim3A_13 = vector.broadcast %broadcast_in_dim3A_12 : f32 to vector<8x1024xf32>
    %broadcast_in_dim3A_14 = arith.constant 0.000000e+00 : f32
    %broadcast_in_dim3A_15 = vector.broadcast %broadcast_in_dim3A_14 : f32 to vector<8x1024xf32>
    %broadcast_in_dim3A_16 = arith.constant 0.000000e+00 : f32
    %broadcast_in_dim3A_17 = vector.broadcast %broadcast_in_dim3A_16 : f32 to vector<8x1024xf32>
    %scan3A = arith.constant 0 : i32
    %scan3A_18 = arith.constant 1024 : i32
    %scan3A_19 = arith.addi %scan3A, %scan3A_18 : i32
    %scan3A_20 = arith.constant 1 : i32
    %scan3A_21:5 = scf.for %scan3A_31 = %scan3A to %scan3A_19 step %scan3A_20 iter_args(%scan3A_32 = %broadcast_in_dim3A_9, %scan3A_33 = %broadcast_in_dim3A_11, %scan3A_34 = %broadcast_in_dim3A_13, %scan3A_35 = %broadcast_in_dim3A_15, %scan3A_36 = %broadcast_in_dim3A_17) -> (vector<8x4096xf32>, vector<8x1xi32>, vector<8x1024xf32>, vector<8x1024xf32>, vector<8x1024xf32>)  : i32 {
      %eq3A = vector.broadcast %scan3A_33 : vector<8x1xi32> to vector<8x4096xi32>
      %eq3A_37 = arith.cmpi eq, %iota3A, %eq3A : vector<8x4096xi32>
      %convert_element_type3A = arith.extui %eq3A_37 : vector<8x4096xi1> to vector<8x4096xi32>
      %convert_element_type3A_38 = arith.sitofp %convert_element_type3A : vector<8x4096xi32> to vector<8x4096xf32>
      %mul3A = arith.mulf %get3A_1, %convert_element_type3A_38 : vector<8x4096xf32>
      %reduce_sum3A = arith.constant dense<0.000000e+00> : vector<8xf32>
      %reduce_sum3A_39 = vector.multi_reduction <add>, %mul3A, %reduce_sum3A [1] : vector<8x4096xf32> to vector<8xf32>
      %broadcast_in_dim3A_40 = vector.shape_cast %reduce_sum3A_39 : vector<8xf32> to vector<8x1xf32>
      %mul3A_41 = arith.mulf %get3A_4, %convert_element_type3A_38 : vector<8x4096xf32>
      %reduce_sum3A_42 = arith.constant dense<0.000000e+00> : vector<8xf32>
      %reduce_sum3A_43 = vector.multi_reduction <add>, %mul3A_41, %reduce_sum3A_42 [1] : vector<8x4096xf32> to vector<8xf32>
      %broadcast_in_dim3A_44 = vector.shape_cast %reduce_sum3A_43 : vector<8xf32> to vector<8x1xf32>
      %mul3A_45 = arith.mulf %get3A_7, %convert_element_type3A_38 : vector<8x4096xf32>
      %reduce_sum3A_46 = arith.constant dense<0.000000e+00> : vector<8xf32>
      %reduce_sum3A_47 = vector.multi_reduction <add>, %mul3A_45, %reduce_sum3A_46 [1] : vector<8x4096xf32> to vector<8xf32>
      %broadcast_in_dim3A_48 = vector.shape_cast %reduce_sum3A_47 : vector<8xf32> to vector<8x1xf32>
      %eq3A_49 = vector.broadcast %scan3A_31 : i32 to vector<8x1024xi32>
      %eq3A_50 = arith.cmpi eq, %iota3A_8, %eq3A_49 : vector<8x1024xi32>
      %broadcast_in_dim3A_51 = vector.shape_cast %broadcast_in_dim3A_40 : vector<8x1xf32> to vector<8x1xf32>
      %broadcast_in_dim3A_52 = vector.broadcast %broadcast_in_dim3A_51 : vector<8x1xf32> to vector<8x1024xf32>
      %select_n3A = arith.select %eq3A_50, %broadcast_in_dim3A_52, %scan3A_34 : vector<8x1024xi1>, vector<8x1024xf32>
      %broadcast_in_dim3A_53 = vector.shape_cast %broadcast_in_dim3A_44 : vector<8x1xf32> to vector<8x1xf32>
      %broadcast_in_dim3A_54 = vector.broadcast %broadcast_in_dim3A_53 : vector<8x1xf32> to vector<8x1024xf32>
      %select_n3A_55 = arith.select %eq3A_50, %broadcast_in_dim3A_54, %scan3A_35 : vector<8x1024xi1>, vector<8x1024xf32>
      %broadcast_in_dim3A_56 = vector.shape_cast %broadcast_in_dim3A_48 : vector<8x1xf32> to vector<8x1xf32>
      %broadcast_in_dim3A_57 = vector.broadcast %broadcast_in_dim3A_56 : vector<8x1xf32> to vector<8x1024xf32>
      %select_n3A_58 = arith.select %eq3A_50, %broadcast_in_dim3A_57, %scan3A_36 : vector<8x1024xi1>, vector<8x1024xf32>
      %sub3A = vector.broadcast %broadcast_in_dim3A_40 : vector<8x1xf32> to vector<8x4096xf32>
      %sub3A_59 = arith.subf %get3A_1, %sub3A : vector<8x4096xf32>
      %sub3A_60 = vector.broadcast %broadcast_in_dim3A_44 : vector<8x1xf32> to vector<8x4096xf32>
      %sub3A_61 = arith.subf %get3A_4, %sub3A_60 : vector<8x4096xf32>
      %sub3A_62 = vector.broadcast %broadcast_in_dim3A_48 : vector<8x1xf32> to vector<8x4096xf32>
      %sub3A_63 = arith.subf %get3A_7, %sub3A_62 : vector<8x4096xf32>
      %mul3A_64 = arith.mulf %sub3A_59, %sub3A_59 : vector<8x4096xf32>
      %mul3A_65 = arith.mulf %sub3A_63, %sub3A_63 : vector<8x4096xf32>
      %add3A = arith.addf %mul3A_64, %mul3A_65 : vector<8x4096xf32>
      %mul3A_66 = arith.mulf %sub3A_61, %sub3A_61 : vector<8x4096xf32>
      %add3A_67 = arith.addf %add3A, %mul3A_66 : vector<8x4096xf32>
      %min3A = arith.minimumf %scan3A_32, %add3A_67 : vector<8x4096xf32>
      %reduce_max3A = arith.constant dense<0xFF800000> : vector<8xf32>
      %reduce_max3A_68 = vector.multi_reduction <maximumf>, %min3A, %reduce_max3A [1] : vector<8x4096xf32> to vector<8xf32>
      %broadcast_in_dim3A_69 = vector.shape_cast %reduce_max3A_68 : vector<8xf32> to vector<8x1xf32>
      %eq3A_70 = vector.broadcast %broadcast_in_dim3A_69 : vector<8x1xf32> to vector<8x4096xf32>
      %eq3A_71 = arith.cmpf oeq, %min3A, %eq3A_70 : vector<8x4096xf32>
      %jit3A = arith.constant 4096 : i32
      %broadcast_in_dim3A_72 = vector.broadcast %jit3A : i32 to vector<8x4096xi32>
      %select_n3A_73 = arith.select %eq3A_71, %iota3A, %broadcast_in_dim3A_72 : vector<8x4096xi1>, vector<8x4096xi32>
      %reduce_min3A = arith.constant dense<2147483647> : vector<8xi32>
      %reduce_min3A_74 = vector.multi_reduction <minsi>, %select_n3A_73, %reduce_min3A [1] : vector<8x4096xi32> to vector<8xi32>
      %broadcast_in_dim3A_75 = vector.shape_cast %reduce_min3A_74 : vector<8xi32> to vector<8x1xi32>
      scf.yield %min3A, %broadcast_in_dim3A_75, %select_n3A, %select_n3A_55, %select_n3A_58 : vector<8x4096xf32>, vector<8x1xi32>, vector<8x1024xf32>, vector<8x1024xf32>, vector<8x1024xf32>
    }
    %scan3A_22 = arith.constant 1024 : i32
    %swap3A = arith.constant 0 : index
    %swap3A_23 = arith.constant 0 : index
    %swap3A_24 = vector.load %arg3[%swap3A, %swap3A_23] : memref<8x1024xf32, #tpu.memory_space<vmem>>, vector<8x1024xf32>
    tpu.vector_store %arg3[%swap3A, %swap3A_23], %scan3A_21#2 {strides = array<i32>} : memref<8x1024xf32, #tpu.memory_space<vmem>>, vector<8x1024xf32>,
    %swap3A_25 = arith.constant 0 : index
    %swap3A_26 = arith.constant 0 : index
    %swap3A_27 = vector.load %arg4[%swap3A_25, %swap3A_26] : memref<8x1024xf32, #tpu.memory_space<vmem>>, vector<8x1024xf32>
    tpu.vector_store %arg4[%swap3A_25, %swap3A_26], %scan3A_21#3 {strides = array<i32>} : memref<8x1024xf32, #tpu.memory_space<vmem>>, vector<8x1024xf32>,
    %swap3A_28 = arith.constant 0 : index
    %swap3A_29 = arith.constant 0 : index
    %swap3A_30 = vector.load %arg5[%swap3A_28, %swap3A_29] : memref<8x1024xf32, #tpu.memory_space<vmem>>, vector<8x1024xf32>
    tpu.vector_store %arg5[%swap3A_28, %swap3A_29], %scan3A_21#4 {strides = array<i32>} : memref<8x1024xf32, #tpu.memory_space<vmem>>, vector<8x1024xf32>,
    return
  }
}

module attributes {stable_mosaic.version = 14 : i64} {
  func.func @_knn_body(%arg0: i32, %arg1: i32, %arg2: memref<1x128x8xf32, #tpu.memory_space<vmem>>, %arg3: memref<1x8x4096xf32, #tpu.memory_space<vmem>>, %arg4: memref<1x128x16xi32, #tpu.memory_space<vmem>>) attributes {dimension_semantics = [#tpu.dimension_semantics<arbitrary>, #tpu.dimension_semantics<arbitrary>], iteration_bounds = array<i64: 8, 8>, scalar_prefetch = 0 : i64, scratch_operands = 0 : i64, tpu.core_type = #tpu.core_type<tc>, window_params = [{transform_indices = @transform_0, window_bounds = array<i64: 1, 128, 8>}, {transform_indices = @transform_1, window_bounds = array<i64: 1, 8, 4096>}, {transform_indices = @transform_2, window_bounds = array<i64: 1, 128, 16>}]} {
    %get3A = arith.constant 0 : index
    %get3A_0 = arith.constant 0 : index
    %get3A_1 = arith.constant 0 : index
    %get3A_2 = vector.load %arg2[%get3A, %get3A_0, %get3A_1] : memref<1x128x8xf32, #tpu.memory_space<vmem>>, vector<1x128x8xf32>
    %get3A_3 = vector.shape_cast %get3A_2 : vector<1x128x8xf32> to vector<128x8xf32>
    %get3A_4 = arith.constant 0 : index
    %get3A_5 = arith.constant 0 : index
    %get3A_6 = arith.constant 0 : index
    %get3A_7 = vector.load %arg3[%get3A_4, %get3A_5, %get3A_6] : memref<1x8x4096xf32, #tpu.memory_space<vmem>>, vector<1x8x4096xf32>
    %get3A_8 = vector.shape_cast %get3A_7 : vector<1x8x4096xf32> to vector<8x4096xf32>
    %mul3A = arith.mulf %get3A_3, %get3A_3 : vector<128x8xf32>
    %reduce_sum3A = arith.constant dense<0.000000e+00> : vector<128xf32>
    %reduce_sum3A_9 = vector.multi_reduction <add>, %mul3A, %reduce_sum3A [1] : vector<128x8xf32> to vector<128xf32>
    %broadcast_in_dim3A = vector.shape_cast %reduce_sum3A_9 : vector<128xf32> to vector<128x1xf32>
    %mul3A_10 = arith.mulf %get3A_8, %get3A_8 : vector<8x4096xf32>
    %reduce_sum3A_11 = arith.constant dense<0.000000e+00> : vector<4096xf32>
    %reduce_sum3A_12 = vector.multi_reduction <add>, %mul3A_10, %reduce_sum3A_11 [0] : vector<8x4096xf32> to vector<4096xf32>
    %broadcast_in_dim3A_13 = vector.shape_cast %reduce_sum3A_12 : vector<4096xf32> to vector<1x4096xf32>
    %dot_general3A = arith.constant dense<0.000000e+00> : vector<128x4096xf32>
    %dot_general3A_14 = tpu.matmul %get3A_3, %get3A_8, %dot_general3A {dimension_numbers = #tpu.dot_dimension_numbers<[1], [0], [0], [1], [0, 0, 1, 1], [], []>, transpose_lhs_hint = false} : vector<128x8xf32>, vector<8x4096xf32>, vector<128x4096xf32> -> vector<128x4096xf32>
    %add3A = vector.broadcast %broadcast_in_dim3A : vector<128x1xf32> to vector<128x4096xf32>
    %add3A_15 = vector.broadcast %broadcast_in_dim3A_13 : vector<1x4096xf32> to vector<128x4096xf32>
    %add3A_16 = arith.addf %add3A, %add3A_15 : vector<128x4096xf32>
    %mul3A_17 = arith.constant 2.000000e+00 : f32
    %mul3A_18 = vector.broadcast %mul3A_17 : f32 to vector<128x4096xf32>
    %mul3A_19 = arith.mulf %mul3A_18, %dot_general3A_14 : vector<128x4096xf32>
    %sub3A = arith.subf %add3A_16, %mul3A_19 : vector<128x4096xf32>
    %iota3A = tpu.iota {dimensions = array<i32: 1>} : vector<128x4096xi32>
    %iota3A_20 = tpu.iota {dimensions = array<i32: 1>} : vector<128x16xi32>
    %broadcast_in_dim3A_21 = arith.constant 0 : i32
    %broadcast_in_dim3A_22 = vector.broadcast %broadcast_in_dim3A_21 : i32 to vector<128x16xi32>
    %reduce_min3A = arith.constant dense<0x7F800000> : vector<128xf32>
    %reduce_min3A_23 = vector.multi_reduction <minimumf>, %sub3A, %reduce_min3A [1] : vector<128x4096xf32> to vector<128xf32>
    %broadcast_in_dim3A_24 = vector.shape_cast %reduce_min3A_23 : vector<128xf32> to vector<128x1xf32>
    %eq3A = vector.broadcast %broadcast_in_dim3A_24 : vector<128x1xf32> to vector<128x4096xf32>
    %eq3A_25 = arith.cmpf oeq, %sub3A, %eq3A : vector<128x4096xf32>
    %jit3A = arith.constant 4096 : i32
    %broadcast_in_dim3A_26 = vector.broadcast %jit3A : i32 to vector<128x4096xi32>
    %select_n3A = arith.select %eq3A_25, %iota3A, %broadcast_in_dim3A_26 : vector<128x4096xi1>, vector<128x4096xi32>
    %reduce_min3A_27 = arith.constant dense<2147483647> : vector<128xi32>
    %reduce_min3A_28 = vector.multi_reduction <minsi>, %select_n3A, %reduce_min3A_27 [1] : vector<128x4096xi32> to vector<128xi32>
    %broadcast_in_dim3A_29 = vector.shape_cast %reduce_min3A_28 : vector<128xi32> to vector<128x1xi32>
    %eq3A_30 = arith.constant 0 : i32
    %eq3A_31 = vector.broadcast %eq3A_30 : i32 to vector<128x16xi32>
    %eq3A_32 = arith.cmpi eq, %iota3A_20, %eq3A_31 : vector<128x16xi32>
    %broadcast_in_dim3A_33 = vector.shape_cast %broadcast_in_dim3A_29 : vector<128x1xi32> to vector<128x1xi32>
    %broadcast_in_dim3A_34 = vector.broadcast %broadcast_in_dim3A_33 : vector<128x1xi32> to vector<128x16xi32>
    %select_n3A_35 = arith.select %eq3A_32, %broadcast_in_dim3A_34, %broadcast_in_dim3A_22 : vector<128x16xi1>, vector<128x16xi32>
    %eq3A_36 = vector.broadcast %broadcast_in_dim3A_29 : vector<128x1xi32> to vector<128x4096xi32>
    %eq3A_37 = arith.cmpi eq, %iota3A, %eq3A_36 : vector<128x4096xi32>
    %jit3A_38 = arith.constant 0x7F800000 : f32
    %broadcast_in_dim3A_39 = vector.broadcast %jit3A_38 : f32 to vector<128x4096xf32>
    %select_n3A_40 = arith.select %eq3A_37, %broadcast_in_dim3A_39, %sub3A : vector<128x4096xi1>, vector<128x4096xf32>
    %reduce_min3A_41 = arith.constant dense<0x7F800000> : vector<128xf32>
    %reduce_min3A_42 = vector.multi_reduction <minimumf>, %select_n3A_40, %reduce_min3A_41 [1] : vector<128x4096xf32> to vector<128xf32>
    %broadcast_in_dim3A_43 = vector.shape_cast %reduce_min3A_42 : vector<128xf32> to vector<128x1xf32>
    %eq3A_44 = vector.broadcast %broadcast_in_dim3A_43 : vector<128x1xf32> to vector<128x4096xf32>
    %eq3A_45 = arith.cmpf oeq, %select_n3A_40, %eq3A_44 : vector<128x4096xf32>
    %jit3A_46 = arith.constant 4096 : i32
    %broadcast_in_dim3A_47 = vector.broadcast %jit3A_46 : i32 to vector<128x4096xi32>
    %select_n3A_48 = arith.select %eq3A_45, %iota3A, %broadcast_in_dim3A_47 : vector<128x4096xi1>, vector<128x4096xi32>
    %reduce_min3A_49 = arith.constant dense<2147483647> : vector<128xi32>
    %reduce_min3A_50 = vector.multi_reduction <minsi>, %select_n3A_48, %reduce_min3A_49 [1] : vector<128x4096xi32> to vector<128xi32>
    %broadcast_in_dim3A_51 = vector.shape_cast %reduce_min3A_50 : vector<128xi32> to vector<128x1xi32>
    %eq3A_52 = arith.constant 1 : i32
    %eq3A_53 = vector.broadcast %eq3A_52 : i32 to vector<128x16xi32>
    %eq3A_54 = arith.cmpi eq, %iota3A_20, %eq3A_53 : vector<128x16xi32>
    %broadcast_in_dim3A_55 = vector.shape_cast %broadcast_in_dim3A_51 : vector<128x1xi32> to vector<128x1xi32>
    %broadcast_in_dim3A_56 = vector.broadcast %broadcast_in_dim3A_55 : vector<128x1xi32> to vector<128x16xi32>
    %select_n3A_57 = arith.select %eq3A_54, %broadcast_in_dim3A_56, %select_n3A_35 : vector<128x16xi1>, vector<128x16xi32>
    %eq3A_58 = vector.broadcast %broadcast_in_dim3A_51 : vector<128x1xi32> to vector<128x4096xi32>
    %eq3A_59 = arith.cmpi eq, %iota3A, %eq3A_58 : vector<128x4096xi32>
    %jit3A_60 = arith.constant 0x7F800000 : f32
    %broadcast_in_dim3A_61 = vector.broadcast %jit3A_60 : f32 to vector<128x4096xf32>
    %select_n3A_62 = arith.select %eq3A_59, %broadcast_in_dim3A_61, %select_n3A_40 : vector<128x4096xi1>, vector<128x4096xf32>
    %reduce_min3A_63 = arith.constant dense<0x7F800000> : vector<128xf32>
    %reduce_min3A_64 = vector.multi_reduction <minimumf>, %select_n3A_62, %reduce_min3A_63 [1] : vector<128x4096xf32> to vector<128xf32>
    %broadcast_in_dim3A_65 = vector.shape_cast %reduce_min3A_64 : vector<128xf32> to vector<128x1xf32>
    %eq3A_66 = vector.broadcast %broadcast_in_dim3A_65 : vector<128x1xf32> to vector<128x4096xf32>
    %eq3A_67 = arith.cmpf oeq, %select_n3A_62, %eq3A_66 : vector<128x4096xf32>
    %jit3A_68 = arith.constant 4096 : i32
    %broadcast_in_dim3A_69 = vector.broadcast %jit3A_68 : i32 to vector<128x4096xi32>
    %select_n3A_70 = arith.select %eq3A_67, %iota3A, %broadcast_in_dim3A_69 : vector<128x4096xi1>, vector<128x4096xi32>
    %reduce_min3A_71 = arith.constant dense<2147483647> : vector<128xi32>
    %reduce_min3A_72 = vector.multi_reduction <minsi>, %select_n3A_70, %reduce_min3A_71 [1] : vector<128x4096xi32> to vector<128xi32>
    %broadcast_in_dim3A_73 = vector.shape_cast %reduce_min3A_72 : vector<128xi32> to vector<128x1xi32>
    %eq3A_74 = arith.constant 2 : i32
    %eq3A_75 = vector.broadcast %eq3A_74 : i32 to vector<128x16xi32>
    %eq3A_76 = arith.cmpi eq, %iota3A_20, %eq3A_75 : vector<128x16xi32>
    %broadcast_in_dim3A_77 = vector.shape_cast %broadcast_in_dim3A_73 : vector<128x1xi32> to vector<128x1xi32>
    %broadcast_in_dim3A_78 = vector.broadcast %broadcast_in_dim3A_77 : vector<128x1xi32> to vector<128x16xi32>
    %select_n3A_79 = arith.select %eq3A_76, %broadcast_in_dim3A_78, %select_n3A_57 : vector<128x16xi1>, vector<128x16xi32>
    %eq3A_80 = vector.broadcast %broadcast_in_dim3A_73 : vector<128x1xi32> to vector<128x4096xi32>
    %eq3A_81 = arith.cmpi eq, %iota3A, %eq3A_80 : vector<128x4096xi32>
    %jit3A_82 = arith.constant 0x7F800000 : f32
    %broadcast_in_dim3A_83 = vector.broadcast %jit3A_82 : f32 to vector<128x4096xf32>
    %select_n3A_84 = arith.select %eq3A_81, %broadcast_in_dim3A_83, %select_n3A_62 : vector<128x4096xi1>, vector<128x4096xf32>
    %reduce_min3A_85 = arith.constant dense<0x7F800000> : vector<128xf32>
    %reduce_min3A_86 = vector.multi_reduction <minimumf>, %select_n3A_84, %reduce_min3A_85 [1] : vector<128x4096xf32> to vector<128xf32>
    %broadcast_in_dim3A_87 = vector.shape_cast %reduce_min3A_86 : vector<128xf32> to vector<128x1xf32>
    %eq3A_88 = vector.broadcast %broadcast_in_dim3A_87 : vector<128x1xf32> to vector<128x4096xf32>
    %eq3A_89 = arith.cmpf oeq, %select_n3A_84, %eq3A_88 : vector<128x4096xf32>
    %jit3A_90 = arith.constant 4096 : i32
    %broadcast_in_dim3A_91 = vector.broadcast %jit3A_90 : i32 to vector<128x4096xi32>
    %select_n3A_92 = arith.select %eq3A_89, %iota3A, %broadcast_in_dim3A_91 : vector<128x4096xi1>, vector<128x4096xi32>
    %reduce_min3A_93 = arith.constant dense<2147483647> : vector<128xi32>
    %reduce_min3A_94 = vector.multi_reduction <minsi>, %select_n3A_92, %reduce_min3A_93 [1] : vector<128x4096xi32> to vector<128xi32>
    %broadcast_in_dim3A_95 = vector.shape_cast %reduce_min3A_94 : vector<128xi32> to vector<128x1xi32>
    %eq3A_96 = arith.constant 3 : i32
    %eq3A_97 = vector.broadcast %eq3A_96 : i32 to vector<128x16xi32>
    %eq3A_98 = arith.cmpi eq, %iota3A_20, %eq3A_97 : vector<128x16xi32>
    %broadcast_in_dim3A_99 = vector.shape_cast %broadcast_in_dim3A_95 : vector<128x1xi32> to vector<128x1xi32>
    %broadcast_in_dim3A_100 = vector.broadcast %broadcast_in_dim3A_99 : vector<128x1xi32> to vector<128x16xi32>
    %select_n3A_101 = arith.select %eq3A_98, %broadcast_in_dim3A_100, %select_n3A_79 : vector<128x16xi1>, vector<128x16xi32>
    %eq3A_102 = vector.broadcast %broadcast_in_dim3A_95 : vector<128x1xi32> to vector<128x4096xi32>
    %eq3A_103 = arith.cmpi eq, %iota3A, %eq3A_102 : vector<128x4096xi32>
    %jit3A_104 = arith.constant 0x7F800000 : f32
    %broadcast_in_dim3A_105 = vector.broadcast %jit3A_104 : f32 to vector<128x4096xf32>
    %select_n3A_106 = arith.select %eq3A_103, %broadcast_in_dim3A_105, %select_n3A_84 : vector<128x4096xi1>, vector<128x4096xf32>
    %reduce_min3A_107 = arith.constant dense<0x7F800000> : vector<128xf32>
    %reduce_min3A_108 = vector.multi_reduction <minimumf>, %select_n3A_106, %reduce_min3A_107 [1] : vector<128x4096xf32> to vector<128xf32>
    %broadcast_in_dim3A_109 = vector.shape_cast %reduce_min3A_108 : vector<128xf32> to vector<128x1xf32>
    %eq3A_110 = vector.broadcast %broadcast_in_dim3A_109 : vector<128x1xf32> to vector<128x4096xf32>
    %eq3A_111 = arith.cmpf oeq, %select_n3A_106, %eq3A_110 : vector<128x4096xf32>
    %jit3A_112 = arith.constant 4096 : i32
    %broadcast_in_dim3A_113 = vector.broadcast %jit3A_112 : i32 to vector<128x4096xi32>
    %select_n3A_114 = arith.select %eq3A_111, %iota3A, %broadcast_in_dim3A_113 : vector<128x4096xi1>, vector<128x4096xi32>
    %reduce_min3A_115 = arith.constant dense<2147483647> : vector<128xi32>
    %reduce_min3A_116 = vector.multi_reduction <minsi>, %select_n3A_114, %reduce_min3A_115 [1] : vector<128x4096xi32> to vector<128xi32>
    %broadcast_in_dim3A_117 = vector.shape_cast %reduce_min3A_116 : vector<128xi32> to vector<128x1xi32>
    %eq3A_118 = arith.constant 4 : i32
    %eq3A_119 = vector.broadcast %eq3A_118 : i32 to vector<128x16xi32>
    %eq3A_120 = arith.cmpi eq, %iota3A_20, %eq3A_119 : vector<128x16xi32>
    %broadcast_in_dim3A_121 = vector.shape_cast %broadcast_in_dim3A_117 : vector<128x1xi32> to vector<128x1xi32>
    %broadcast_in_dim3A_122 = vector.broadcast %broadcast_in_dim3A_121 : vector<128x1xi32> to vector<128x16xi32>
    %select_n3A_123 = arith.select %eq3A_120, %broadcast_in_dim3A_122, %select_n3A_101 : vector<128x16xi1>, vector<128x16xi32>
    %eq3A_124 = vector.broadcast %broadcast_in_dim3A_117 : vector<128x1xi32> to vector<128x4096xi32>
    %eq3A_125 = arith.cmpi eq, %iota3A, %eq3A_124 : vector<128x4096xi32>
    %jit3A_126 = arith.constant 0x7F800000 : f32
    %broadcast_in_dim3A_127 = vector.broadcast %jit3A_126 : f32 to vector<128x4096xf32>
    %select_n3A_128 = arith.select %eq3A_125, %broadcast_in_dim3A_127, %select_n3A_106 : vector<128x4096xi1>, vector<128x4096xf32>
    %reduce_min3A_129 = arith.constant dense<0x7F800000> : vector<128xf32>
    %reduce_min3A_130 = vector.multi_reduction <minimumf>, %select_n3A_128, %reduce_min3A_129 [1] : vector<128x4096xf32> to vector<128xf32>
    %broadcast_in_dim3A_131 = vector.shape_cast %reduce_min3A_130 : vector<128xf32> to vector<128x1xf32>
    %eq3A_132 = vector.broadcast %broadcast_in_dim3A_131 : vector<128x1xf32> to vector<128x4096xf32>
    %eq3A_133 = arith.cmpf oeq, %select_n3A_128, %eq3A_132 : vector<128x4096xf32>
    %jit3A_134 = arith.constant 4096 : i32
    %broadcast_in_dim3A_135 = vector.broadcast %jit3A_134 : i32 to vector<128x4096xi32>
    %select_n3A_136 = arith.select %eq3A_133, %iota3A, %broadcast_in_dim3A_135 : vector<128x4096xi1>, vector<128x4096xi32>
    %reduce_min3A_137 = arith.constant dense<2147483647> : vector<128xi32>
    %reduce_min3A_138 = vector.multi_reduction <minsi>, %select_n3A_136, %reduce_min3A_137 [1] : vector<128x4096xi32> to vector<128xi32>
    %broadcast_in_dim3A_139 = vector.shape_cast %reduce_min3A_138 : vector<128xi32> to vector<128x1xi32>
    %eq3A_140 = arith.constant 5 : i32
    %eq3A_141 = vector.broadcast %eq3A_140 : i32 to vector<128x16xi32>
    %eq3A_142 = arith.cmpi eq, %iota3A_20, %eq3A_141 : vector<128x16xi32>
    %broadcast_in_dim3A_143 = vector.shape_cast %broadcast_in_dim3A_139 : vector<128x1xi32> to vector<128x1xi32>
    %broadcast_in_dim3A_144 = vector.broadcast %broadcast_in_dim3A_143 : vector<128x1xi32> to vector<128x16xi32>
    %select_n3A_145 = arith.select %eq3A_142, %broadcast_in_dim3A_144, %select_n3A_123 : vector<128x16xi1>, vector<128x16xi32>
    %eq3A_146 = vector.broadcast %broadcast_in_dim3A_139 : vector<128x1xi32> to vector<128x4096xi32>
    %eq3A_147 = arith.cmpi eq, %iota3A, %eq3A_146 : vector<128x4096xi32>
    %jit3A_148 = arith.constant 0x7F800000 : f32
    %broadcast_in_dim3A_149 = vector.broadcast %jit3A_148 : f32 to vector<128x4096xf32>
    %select_n3A_150 = arith.select %eq3A_147, %broadcast_in_dim3A_149, %select_n3A_128 : vector<128x4096xi1>, vector<128x4096xf32>
    %reduce_min3A_151 = arith.constant dense<0x7F800000> : vector<128xf32>
    %reduce_min3A_152 = vector.multi_reduction <minimumf>, %select_n3A_150, %reduce_min3A_151 [1] : vector<128x4096xf32> to vector<128xf32>
    %broadcast_in_dim3A_153 = vector.shape_cast %reduce_min3A_152 : vector<128xf32> to vector<128x1xf32>
    %eq3A_154 = vector.broadcast %broadcast_in_dim3A_153 : vector<128x1xf32> to vector<128x4096xf32>
    %eq3A_155 = arith.cmpf oeq, %select_n3A_150, %eq3A_154 : vector<128x4096xf32>
    %jit3A_156 = arith.constant 4096 : i32
    %broadcast_in_dim3A_157 = vector.broadcast %jit3A_156 : i32 to vector<128x4096xi32>
    %select_n3A_158 = arith.select %eq3A_155, %iota3A, %broadcast_in_dim3A_157 : vector<128x4096xi1>, vector<128x4096xi32>
    %reduce_min3A_159 = arith.constant dense<2147483647> : vector<128xi32>
    %reduce_min3A_160 = vector.multi_reduction <minsi>, %select_n3A_158, %reduce_min3A_159 [1] : vector<128x4096xi32> to vector<128xi32>
    %broadcast_in_dim3A_161 = vector.shape_cast %reduce_min3A_160 : vector<128xi32> to vector<128x1xi32>
    %eq3A_162 = arith.constant 6 : i32
    %eq3A_163 = vector.broadcast %eq3A_162 : i32 to vector<128x16xi32>
    %eq3A_164 = arith.cmpi eq, %iota3A_20, %eq3A_163 : vector<128x16xi32>
    %broadcast_in_dim3A_165 = vector.shape_cast %broadcast_in_dim3A_161 : vector<128x1xi32> to vector<128x1xi32>
    %broadcast_in_dim3A_166 = vector.broadcast %broadcast_in_dim3A_165 : vector<128x1xi32> to vector<128x16xi32>
    %select_n3A_167 = arith.select %eq3A_164, %broadcast_in_dim3A_166, %select_n3A_145 : vector<128x16xi1>, vector<128x16xi32>
    %eq3A_168 = vector.broadcast %broadcast_in_dim3A_161 : vector<128x1xi32> to vector<128x4096xi32>
    %eq3A_169 = arith.cmpi eq, %iota3A, %eq3A_168 : vector<128x4096xi32>
    %jit3A_170 = arith.constant 0x7F800000 : f32
    %broadcast_in_dim3A_171 = vector.broadcast %jit3A_170 : f32 to vector<128x4096xf32>
    %select_n3A_172 = arith.select %eq3A_169, %broadcast_in_dim3A_171, %select_n3A_150 : vector<128x4096xi1>, vector<128x4096xf32>
    %reduce_min3A_173 = arith.constant dense<0x7F800000> : vector<128xf32>
    %reduce_min3A_174 = vector.multi_reduction <minimumf>, %select_n3A_172, %reduce_min3A_173 [1] : vector<128x4096xf32> to vector<128xf32>
    %broadcast_in_dim3A_175 = vector.shape_cast %reduce_min3A_174 : vector<128xf32> to vector<128x1xf32>
    %eq3A_176 = vector.broadcast %broadcast_in_dim3A_175 : vector<128x1xf32> to vector<128x4096xf32>
    %eq3A_177 = arith.cmpf oeq, %select_n3A_172, %eq3A_176 : vector<128x4096xf32>
    %jit3A_178 = arith.constant 4096 : i32
    %broadcast_in_dim3A_179 = vector.broadcast %jit3A_178 : i32 to vector<128x4096xi32>
    %select_n3A_180 = arith.select %eq3A_177, %iota3A, %broadcast_in_dim3A_179 : vector<128x4096xi1>, vector<128x4096xi32>
    %reduce_min3A_181 = arith.constant dense<2147483647> : vector<128xi32>
    %reduce_min3A_182 = vector.multi_reduction <minsi>, %select_n3A_180, %reduce_min3A_181 [1] : vector<128x4096xi32> to vector<128xi32>
    %broadcast_in_dim3A_183 = vector.shape_cast %reduce_min3A_182 : vector<128xi32> to vector<128x1xi32>
    %eq3A_184 = arith.constant 7 : i32
    %eq3A_185 = vector.broadcast %eq3A_184 : i32 to vector<128x16xi32>
    %eq3A_186 = arith.cmpi eq, %iota3A_20, %eq3A_185 : vector<128x16xi32>
    %broadcast_in_dim3A_187 = vector.shape_cast %broadcast_in_dim3A_183 : vector<128x1xi32> to vector<128x1xi32>
    %broadcast_in_dim3A_188 = vector.broadcast %broadcast_in_dim3A_187 : vector<128x1xi32> to vector<128x16xi32>
    %select_n3A_189 = arith.select %eq3A_186, %broadcast_in_dim3A_188, %select_n3A_167 : vector<128x16xi1>, vector<128x16xi32>
    %eq3A_190 = vector.broadcast %broadcast_in_dim3A_183 : vector<128x1xi32> to vector<128x4096xi32>
    %eq3A_191 = arith.cmpi eq, %iota3A, %eq3A_190 : vector<128x4096xi32>
    %jit3A_192 = arith.constant 0x7F800000 : f32
    %broadcast_in_dim3A_193 = vector.broadcast %jit3A_192 : f32 to vector<128x4096xf32>
    %select_n3A_194 = arith.select %eq3A_191, %broadcast_in_dim3A_193, %select_n3A_172 : vector<128x4096xi1>, vector<128x4096xf32>
    %reduce_min3A_195 = arith.constant dense<0x7F800000> : vector<128xf32>
    %reduce_min3A_196 = vector.multi_reduction <minimumf>, %select_n3A_194, %reduce_min3A_195 [1] : vector<128x4096xf32> to vector<128xf32>
    %broadcast_in_dim3A_197 = vector.shape_cast %reduce_min3A_196 : vector<128xf32> to vector<128x1xf32>
    %eq3A_198 = vector.broadcast %broadcast_in_dim3A_197 : vector<128x1xf32> to vector<128x4096xf32>
    %eq3A_199 = arith.cmpf oeq, %select_n3A_194, %eq3A_198 : vector<128x4096xf32>
    %jit3A_200 = arith.constant 4096 : i32
    %broadcast_in_dim3A_201 = vector.broadcast %jit3A_200 : i32 to vector<128x4096xi32>
    %select_n3A_202 = arith.select %eq3A_199, %iota3A, %broadcast_in_dim3A_201 : vector<128x4096xi1>, vector<128x4096xi32>
    %reduce_min3A_203 = arith.constant dense<2147483647> : vector<128xi32>
    %reduce_min3A_204 = vector.multi_reduction <minsi>, %select_n3A_202, %reduce_min3A_203 [1] : vector<128x4096xi32> to vector<128xi32>
    %broadcast_in_dim3A_205 = vector.shape_cast %reduce_min3A_204 : vector<128xi32> to vector<128x1xi32>
    %eq3A_206 = arith.constant 8 : i32
    %eq3A_207 = vector.broadcast %eq3A_206 : i32 to vector<128x16xi32>
    %eq3A_208 = arith.cmpi eq, %iota3A_20, %eq3A_207 : vector<128x16xi32>
    %broadcast_in_dim3A_209 = vector.shape_cast %broadcast_in_dim3A_205 : vector<128x1xi32> to vector<128x1xi32>
    %broadcast_in_dim3A_210 = vector.broadcast %broadcast_in_dim3A_209 : vector<128x1xi32> to vector<128x16xi32>
    %select_n3A_211 = arith.select %eq3A_208, %broadcast_in_dim3A_210, %select_n3A_189 : vector<128x16xi1>, vector<128x16xi32>
    %eq3A_212 = vector.broadcast %broadcast_in_dim3A_205 : vector<128x1xi32> to vector<128x4096xi32>
    %eq3A_213 = arith.cmpi eq, %iota3A, %eq3A_212 : vector<128x4096xi32>
    %jit3A_214 = arith.constant 0x7F800000 : f32
    %broadcast_in_dim3A_215 = vector.broadcast %jit3A_214 : f32 to vector<128x4096xf32>
    %select_n3A_216 = arith.select %eq3A_213, %broadcast_in_dim3A_215, %select_n3A_194 : vector<128x4096xi1>, vector<128x4096xf32>
    %reduce_min3A_217 = arith.constant dense<0x7F800000> : vector<128xf32>
    %reduce_min3A_218 = vector.multi_reduction <minimumf>, %select_n3A_216, %reduce_min3A_217 [1] : vector<128x4096xf32> to vector<128xf32>
    %broadcast_in_dim3A_219 = vector.shape_cast %reduce_min3A_218 : vector<128xf32> to vector<128x1xf32>
    %eq3A_220 = vector.broadcast %broadcast_in_dim3A_219 : vector<128x1xf32> to vector<128x4096xf32>
    %eq3A_221 = arith.cmpf oeq, %select_n3A_216, %eq3A_220 : vector<128x4096xf32>
    %jit3A_222 = arith.constant 4096 : i32
    %broadcast_in_dim3A_223 = vector.broadcast %jit3A_222 : i32 to vector<128x4096xi32>
    %select_n3A_224 = arith.select %eq3A_221, %iota3A, %broadcast_in_dim3A_223 : vector<128x4096xi1>, vector<128x4096xi32>
    %reduce_min3A_225 = arith.constant dense<2147483647> : vector<128xi32>
    %reduce_min3A_226 = vector.multi_reduction <minsi>, %select_n3A_224, %reduce_min3A_225 [1] : vector<128x4096xi32> to vector<128xi32>
    %broadcast_in_dim3A_227 = vector.shape_cast %reduce_min3A_226 : vector<128xi32> to vector<128x1xi32>
    %eq3A_228 = arith.constant 9 : i32
    %eq3A_229 = vector.broadcast %eq3A_228 : i32 to vector<128x16xi32>
    %eq3A_230 = arith.cmpi eq, %iota3A_20, %eq3A_229 : vector<128x16xi32>
    %broadcast_in_dim3A_231 = vector.shape_cast %broadcast_in_dim3A_227 : vector<128x1xi32> to vector<128x1xi32>
    %broadcast_in_dim3A_232 = vector.broadcast %broadcast_in_dim3A_231 : vector<128x1xi32> to vector<128x16xi32>
    %select_n3A_233 = arith.select %eq3A_230, %broadcast_in_dim3A_232, %select_n3A_211 : vector<128x16xi1>, vector<128x16xi32>
    %eq3A_234 = vector.broadcast %broadcast_in_dim3A_227 : vector<128x1xi32> to vector<128x4096xi32>
    %eq3A_235 = arith.cmpi eq, %iota3A, %eq3A_234 : vector<128x4096xi32>
    %jit3A_236 = arith.constant 0x7F800000 : f32
    %broadcast_in_dim3A_237 = vector.broadcast %jit3A_236 : f32 to vector<128x4096xf32>
    %select_n3A_238 = arith.select %eq3A_235, %broadcast_in_dim3A_237, %select_n3A_216 : vector<128x4096xi1>, vector<128x4096xf32>
    %reduce_min3A_239 = arith.constant dense<0x7F800000> : vector<128xf32>
    %reduce_min3A_240 = vector.multi_reduction <minimumf>, %select_n3A_238, %reduce_min3A_239 [1] : vector<128x4096xf32> to vector<128xf32>
    %broadcast_in_dim3A_241 = vector.shape_cast %reduce_min3A_240 : vector<128xf32> to vector<128x1xf32>
    %eq3A_242 = vector.broadcast %broadcast_in_dim3A_241 : vector<128x1xf32> to vector<128x4096xf32>
    %eq3A_243 = arith.cmpf oeq, %select_n3A_238, %eq3A_242 : vector<128x4096xf32>
    %jit3A_244 = arith.constant 4096 : i32
    %broadcast_in_dim3A_245 = vector.broadcast %jit3A_244 : i32 to vector<128x4096xi32>
    %select_n3A_246 = arith.select %eq3A_243, %iota3A, %broadcast_in_dim3A_245 : vector<128x4096xi1>, vector<128x4096xi32>
    %reduce_min3A_247 = arith.constant dense<2147483647> : vector<128xi32>
    %reduce_min3A_248 = vector.multi_reduction <minsi>, %select_n3A_246, %reduce_min3A_247 [1] : vector<128x4096xi32> to vector<128xi32>
    %broadcast_in_dim3A_249 = vector.shape_cast %reduce_min3A_248 : vector<128xi32> to vector<128x1xi32>
    %eq3A_250 = arith.constant 10 : i32
    %eq3A_251 = vector.broadcast %eq3A_250 : i32 to vector<128x16xi32>
    %eq3A_252 = arith.cmpi eq, %iota3A_20, %eq3A_251 : vector<128x16xi32>
    %broadcast_in_dim3A_253 = vector.shape_cast %broadcast_in_dim3A_249 : vector<128x1xi32> to vector<128x1xi32>
    %broadcast_in_dim3A_254 = vector.broadcast %broadcast_in_dim3A_253 : vector<128x1xi32> to vector<128x16xi32>
    %select_n3A_255 = arith.select %eq3A_252, %broadcast_in_dim3A_254, %select_n3A_233 : vector<128x16xi1>, vector<128x16xi32>
    %eq3A_256 = vector.broadcast %broadcast_in_dim3A_249 : vector<128x1xi32> to vector<128x4096xi32>
    %eq3A_257 = arith.cmpi eq, %iota3A, %eq3A_256 : vector<128x4096xi32>
    %jit3A_258 = arith.constant 0x7F800000 : f32
    %broadcast_in_dim3A_259 = vector.broadcast %jit3A_258 : f32 to vector<128x4096xf32>
    %select_n3A_260 = arith.select %eq3A_257, %broadcast_in_dim3A_259, %select_n3A_238 : vector<128x4096xi1>, vector<128x4096xf32>
    %reduce_min3A_261 = arith.constant dense<0x7F800000> : vector<128xf32>
    %reduce_min3A_262 = vector.multi_reduction <minimumf>, %select_n3A_260, %reduce_min3A_261 [1] : vector<128x4096xf32> to vector<128xf32>
    %broadcast_in_dim3A_263 = vector.shape_cast %reduce_min3A_262 : vector<128xf32> to vector<128x1xf32>
    %eq3A_264 = vector.broadcast %broadcast_in_dim3A_263 : vector<128x1xf32> to vector<128x4096xf32>
    %eq3A_265 = arith.cmpf oeq, %select_n3A_260, %eq3A_264 : vector<128x4096xf32>
    %jit3A_266 = arith.constant 4096 : i32
    %broadcast_in_dim3A_267 = vector.broadcast %jit3A_266 : i32 to vector<128x4096xi32>
    %select_n3A_268 = arith.select %eq3A_265, %iota3A, %broadcast_in_dim3A_267 : vector<128x4096xi1>, vector<128x4096xi32>
    %reduce_min3A_269 = arith.constant dense<2147483647> : vector<128xi32>
    %reduce_min3A_270 = vector.multi_reduction <minsi>, %select_n3A_268, %reduce_min3A_269 [1] : vector<128x4096xi32> to vector<128xi32>
    %broadcast_in_dim3A_271 = vector.shape_cast %reduce_min3A_270 : vector<128xi32> to vector<128x1xi32>
    %eq3A_272 = arith.constant 11 : i32
    %eq3A_273 = vector.broadcast %eq3A_272 : i32 to vector<128x16xi32>
    %eq3A_274 = arith.cmpi eq, %iota3A_20, %eq3A_273 : vector<128x16xi32>
    %broadcast_in_dim3A_275 = vector.shape_cast %broadcast_in_dim3A_271 : vector<128x1xi32> to vector<128x1xi32>
    %broadcast_in_dim3A_276 = vector.broadcast %broadcast_in_dim3A_275 : vector<128x1xi32> to vector<128x16xi32>
    %select_n3A_277 = arith.select %eq3A_274, %broadcast_in_dim3A_276, %select_n3A_255 : vector<128x16xi1>, vector<128x16xi32>
    %eq3A_278 = vector.broadcast %broadcast_in_dim3A_271 : vector<128x1xi32> to vector<128x4096xi32>
    %eq3A_279 = arith.cmpi eq, %iota3A, %eq3A_278 : vector<128x4096xi32>
    %jit3A_280 = arith.constant 0x7F800000 : f32
    %broadcast_in_dim3A_281 = vector.broadcast %jit3A_280 : f32 to vector<128x4096xf32>
    %select_n3A_282 = arith.select %eq3A_279, %broadcast_in_dim3A_281, %select_n3A_260 : vector<128x4096xi1>, vector<128x4096xf32>
    %reduce_min3A_283 = arith.constant dense<0x7F800000> : vector<128xf32>
    %reduce_min3A_284 = vector.multi_reduction <minimumf>, %select_n3A_282, %reduce_min3A_283 [1] : vector<128x4096xf32> to vector<128xf32>
    %broadcast_in_dim3A_285 = vector.shape_cast %reduce_min3A_284 : vector<128xf32> to vector<128x1xf32>
    %eq3A_286 = vector.broadcast %broadcast_in_dim3A_285 : vector<128x1xf32> to vector<128x4096xf32>
    %eq3A_287 = arith.cmpf oeq, %select_n3A_282, %eq3A_286 : vector<128x4096xf32>
    %jit3A_288 = arith.constant 4096 : i32
    %broadcast_in_dim3A_289 = vector.broadcast %jit3A_288 : i32 to vector<128x4096xi32>
    %select_n3A_290 = arith.select %eq3A_287, %iota3A, %broadcast_in_dim3A_289 : vector<128x4096xi1>, vector<128x4096xi32>
    %reduce_min3A_291 = arith.constant dense<2147483647> : vector<128xi32>
    %reduce_min3A_292 = vector.multi_reduction <minsi>, %select_n3A_290, %reduce_min3A_291 [1] : vector<128x4096xi32> to vector<128xi32>
    %broadcast_in_dim3A_293 = vector.shape_cast %reduce_min3A_292 : vector<128xi32> to vector<128x1xi32>
    %eq3A_294 = arith.constant 12 : i32
    %eq3A_295 = vector.broadcast %eq3A_294 : i32 to vector<128x16xi32>
    %eq3A_296 = arith.cmpi eq, %iota3A_20, %eq3A_295 : vector<128x16xi32>
    %broadcast_in_dim3A_297 = vector.shape_cast %broadcast_in_dim3A_293 : vector<128x1xi32> to vector<128x1xi32>
    %broadcast_in_dim3A_298 = vector.broadcast %broadcast_in_dim3A_297 : vector<128x1xi32> to vector<128x16xi32>
    %select_n3A_299 = arith.select %eq3A_296, %broadcast_in_dim3A_298, %select_n3A_277 : vector<128x16xi1>, vector<128x16xi32>
    %eq3A_300 = vector.broadcast %broadcast_in_dim3A_293 : vector<128x1xi32> to vector<128x4096xi32>
    %eq3A_301 = arith.cmpi eq, %iota3A, %eq3A_300 : vector<128x4096xi32>
    %jit3A_302 = arith.constant 0x7F800000 : f32
    %broadcast_in_dim3A_303 = vector.broadcast %jit3A_302 : f32 to vector<128x4096xf32>
    %select_n3A_304 = arith.select %eq3A_301, %broadcast_in_dim3A_303, %select_n3A_282 : vector<128x4096xi1>, vector<128x4096xf32>
    %reduce_min3A_305 = arith.constant dense<0x7F800000> : vector<128xf32>
    %reduce_min3A_306 = vector.multi_reduction <minimumf>, %select_n3A_304, %reduce_min3A_305 [1] : vector<128x4096xf32> to vector<128xf32>
    %broadcast_in_dim3A_307 = vector.shape_cast %reduce_min3A_306 : vector<128xf32> to vector<128x1xf32>
    %eq3A_308 = vector.broadcast %broadcast_in_dim3A_307 : vector<128x1xf32> to vector<128x4096xf32>
    %eq3A_309 = arith.cmpf oeq, %select_n3A_304, %eq3A_308 : vector<128x4096xf32>
    %jit3A_310 = arith.constant 4096 : i32
    %broadcast_in_dim3A_311 = vector.broadcast %jit3A_310 : i32 to vector<128x4096xi32>
    %select_n3A_312 = arith.select %eq3A_309, %iota3A, %broadcast_in_dim3A_311 : vector<128x4096xi1>, vector<128x4096xi32>
    %reduce_min3A_313 = arith.constant dense<2147483647> : vector<128xi32>
    %reduce_min3A_314 = vector.multi_reduction <minsi>, %select_n3A_312, %reduce_min3A_313 [1] : vector<128x4096xi32> to vector<128xi32>
    %broadcast_in_dim3A_315 = vector.shape_cast %reduce_min3A_314 : vector<128xi32> to vector<128x1xi32>
    %eq3A_316 = arith.constant 13 : i32
    %eq3A_317 = vector.broadcast %eq3A_316 : i32 to vector<128x16xi32>
    %eq3A_318 = arith.cmpi eq, %iota3A_20, %eq3A_317 : vector<128x16xi32>
    %broadcast_in_dim3A_319 = vector.shape_cast %broadcast_in_dim3A_315 : vector<128x1xi32> to vector<128x1xi32>
    %broadcast_in_dim3A_320 = vector.broadcast %broadcast_in_dim3A_319 : vector<128x1xi32> to vector<128x16xi32>
    %select_n3A_321 = arith.select %eq3A_318, %broadcast_in_dim3A_320, %select_n3A_299 : vector<128x16xi1>, vector<128x16xi32>
    %eq3A_322 = vector.broadcast %broadcast_in_dim3A_315 : vector<128x1xi32> to vector<128x4096xi32>
    %eq3A_323 = arith.cmpi eq, %iota3A, %eq3A_322 : vector<128x4096xi32>
    %jit3A_324 = arith.constant 0x7F800000 : f32
    %broadcast_in_dim3A_325 = vector.broadcast %jit3A_324 : f32 to vector<128x4096xf32>
    %select_n3A_326 = arith.select %eq3A_323, %broadcast_in_dim3A_325, %select_n3A_304 : vector<128x4096xi1>, vector<128x4096xf32>
    %reduce_min3A_327 = arith.constant dense<0x7F800000> : vector<128xf32>
    %reduce_min3A_328 = vector.multi_reduction <minimumf>, %select_n3A_326, %reduce_min3A_327 [1] : vector<128x4096xf32> to vector<128xf32>
    %broadcast_in_dim3A_329 = vector.shape_cast %reduce_min3A_328 : vector<128xf32> to vector<128x1xf32>
    %eq3A_330 = vector.broadcast %broadcast_in_dim3A_329 : vector<128x1xf32> to vector<128x4096xf32>
    %eq3A_331 = arith.cmpf oeq, %select_n3A_326, %eq3A_330 : vector<128x4096xf32>
    %jit3A_332 = arith.constant 4096 : i32
    %broadcast_in_dim3A_333 = vector.broadcast %jit3A_332 : i32 to vector<128x4096xi32>
    %select_n3A_334 = arith.select %eq3A_331, %iota3A, %broadcast_in_dim3A_333 : vector<128x4096xi1>, vector<128x4096xi32>
    %reduce_min3A_335 = arith.constant dense<2147483647> : vector<128xi32>
    %reduce_min3A_336 = vector.multi_reduction <minsi>, %select_n3A_334, %reduce_min3A_335 [1] : vector<128x4096xi32> to vector<128xi32>
    %broadcast_in_dim3A_337 = vector.shape_cast %reduce_min3A_336 : vector<128xi32> to vector<128x1xi32>
    %eq3A_338 = arith.constant 14 : i32
    %eq3A_339 = vector.broadcast %eq3A_338 : i32 to vector<128x16xi32>
    %eq3A_340 = arith.cmpi eq, %iota3A_20, %eq3A_339 : vector<128x16xi32>
    %broadcast_in_dim3A_341 = vector.shape_cast %broadcast_in_dim3A_337 : vector<128x1xi32> to vector<128x1xi32>
    %broadcast_in_dim3A_342 = vector.broadcast %broadcast_in_dim3A_341 : vector<128x1xi32> to vector<128x16xi32>
    %select_n3A_343 = arith.select %eq3A_340, %broadcast_in_dim3A_342, %select_n3A_321 : vector<128x16xi1>, vector<128x16xi32>
    %eq3A_344 = vector.broadcast %broadcast_in_dim3A_337 : vector<128x1xi32> to vector<128x4096xi32>
    %eq3A_345 = arith.cmpi eq, %iota3A, %eq3A_344 : vector<128x4096xi32>
    %jit3A_346 = arith.constant 0x7F800000 : f32
    %broadcast_in_dim3A_347 = vector.broadcast %jit3A_346 : f32 to vector<128x4096xf32>
    %select_n3A_348 = arith.select %eq3A_345, %broadcast_in_dim3A_347, %select_n3A_326 : vector<128x4096xi1>, vector<128x4096xf32>
    %reduce_min3A_349 = arith.constant dense<0x7F800000> : vector<128xf32>
    %reduce_min3A_350 = vector.multi_reduction <minimumf>, %select_n3A_348, %reduce_min3A_349 [1] : vector<128x4096xf32> to vector<128xf32>
    %broadcast_in_dim3A_351 = vector.shape_cast %reduce_min3A_350 : vector<128xf32> to vector<128x1xf32>
    %eq3A_352 = vector.broadcast %broadcast_in_dim3A_351 : vector<128x1xf32> to vector<128x4096xf32>
    %eq3A_353 = arith.cmpf oeq, %select_n3A_348, %eq3A_352 : vector<128x4096xf32>
    %jit3A_354 = arith.constant 4096 : i32
    %broadcast_in_dim3A_355 = vector.broadcast %jit3A_354 : i32 to vector<128x4096xi32>
    %select_n3A_356 = arith.select %eq3A_353, %iota3A, %broadcast_in_dim3A_355 : vector<128x4096xi1>, vector<128x4096xi32>
    %reduce_min3A_357 = arith.constant dense<2147483647> : vector<128xi32>
    %reduce_min3A_358 = vector.multi_reduction <minsi>, %select_n3A_356, %reduce_min3A_357 [1] : vector<128x4096xi32> to vector<128xi32>
    %broadcast_in_dim3A_359 = vector.shape_cast %reduce_min3A_358 : vector<128xi32> to vector<128x1xi32>
    %eq3A_360 = arith.constant 15 : i32
    %eq3A_361 = vector.broadcast %eq3A_360 : i32 to vector<128x16xi32>
    %eq3A_362 = arith.cmpi eq, %iota3A_20, %eq3A_361 : vector<128x16xi32>
    %broadcast_in_dim3A_363 = vector.shape_cast %broadcast_in_dim3A_359 : vector<128x1xi32> to vector<128x1xi32>
    %broadcast_in_dim3A_364 = vector.broadcast %broadcast_in_dim3A_363 : vector<128x1xi32> to vector<128x16xi32>
    %select_n3A_365 = arith.select %eq3A_362, %broadcast_in_dim3A_364, %select_n3A_343 : vector<128x16xi1>, vector<128x16xi32>
    %mul3A_366 = arith.constant 4096 : i32
    %mul3A_367 = arith.muli %arg0, %mul3A_366 : i32
    %add3A_368 = vector.broadcast %mul3A_367 : i32 to vector<128x16xi32>
    %add3A_369 = arith.addi %select_n3A_365, %add3A_368 : vector<128x16xi32>
    %swap3A = arith.constant 0 : index
    %swap3A_370 = arith.constant 0 : index
    %swap3A_371 = arith.constant 0 : index
    %swap3A_372 = vector.load %arg4[%swap3A, %swap3A_370, %swap3A_371] : memref<1x128x16xi32, #tpu.memory_space<vmem>>, vector<1x128x16xi32>
    %swap3A_373 = vector.shape_cast %swap3A_372 : vector<1x128x16xi32> to vector<128x16xi32>
    %swap3A_374 = vector.shape_cast %add3A_369 : vector<128x16xi32> to vector<1x128x16xi32>
    tpu.vector_store %arg4[%swap3A, %swap3A_370, %swap3A_371], %swap3A_374 {strides = array<i32>} : memref<1x128x16xi32, #tpu.memory_space<vmem>>, vector<1x128x16xi32>,
    return
  }
  func.func @transform_0(%arg0: i32, %arg1: i32) -> (i32, i32, i32) {
    %c0_i32 = arith.constant 0 : i32
    %c0_i32_0 = arith.constant 0 : i32
    return %arg0, %arg1, %c0_i32 : i32, i32, i32
  }
  func.func @transform_1(%arg0: i32, %arg1: i32) -> (i32, i32, i32) {
    %c0_i32 = arith.constant 0 : i32
    %c0_i32_0 = arith.constant 0 : i32
    %c0_i32_1 = arith.constant 0 : i32
    return %arg0, %c0_i32, %c0_i32_0 : i32, i32, i32
  }
  func.func @transform_2(%arg0: i32, %arg1: i32) -> (i32, i32, i32) {
    %c0_i32 = arith.constant 0 : i32
    %c0_i32_0 = arith.constant 0 : i32
    return %arg0, %arg1, %c0_i32 : i32, i32, i32
  }
}

module attributes {stable_mosaic.version = 14 : i64} {
  func.func @_premix_body(%arg0: i32, %arg1: memref<1024x144xf32, #tpu.memory_space<vmem>>, %arg2: memref<144x256xf32, #tpu.memory_space<vmem>>, %arg3: memref<1024x256xf32, #tpu.memory_space<vmem>>) attributes {dimension_semantics = [#tpu.dimension_semantics<arbitrary>], iteration_bounds = array<i64: 32>, scalar_prefetch = 0 : i64, scratch_operands = 0 : i64, tpu.core_type = #tpu.core_type<tc>, window_params = [{transform_indices = @transform_0, window_bounds = array<i64: 1024, 144>}, {pipeline_mode = #tpu.pipeline_mode<synchronous>, transform_indices = @transform_1, window_bounds = array<i64: 144, 256>}, {transform_indices = @transform_2, window_bounds = array<i64: 1024, 256>}]} {
    %get3A = arith.constant 0 : index
    %get3A_0 = arith.constant 0 : index
    %get3A_1 = vector.load %arg1[%get3A, %get3A_0] : memref<1024x144xf32, #tpu.memory_space<vmem>>, vector<1024x144xf32>
    %get3A_2 = arith.constant 0 : index
    %get3A_3 = arith.constant 0 : index
    %get3A_4 = vector.load %arg2[%get3A_2, %get3A_3] : memref<144x256xf32, #tpu.memory_space<vmem>>, vector<144x256xf32>
    %dot_general3A = arith.constant dense<0.000000e+00> : vector<1024x256xf32>
    %dot_general3A_5 = tpu.matmul %get3A_1, %get3A_4, %dot_general3A {dimension_numbers = #tpu.dot_dimension_numbers<[1], [0], [0], [1], [0, 0, 1, 1], [], []>, transpose_lhs_hint = false} : vector<1024x144xf32>, vector<144x256xf32>, vector<1024x256xf32> -> vector<1024x256xf32>
    %swap3A = arith.constant 0 : index
    %swap3A_6 = arith.constant 0 : index
    %swap3A_7 = vector.load %arg3[%swap3A, %swap3A_6] : memref<1024x256xf32, #tpu.memory_space<vmem>>, vector<1024x256xf32>
    tpu.vector_store %arg3[%swap3A, %swap3A_6], %dot_general3A_5 {strides = array<i32>} : memref<1024x256xf32, #tpu.memory_space<vmem>>, vector<1024x256xf32>,
    return
  }
  func.func @transform_0(%arg0: i32) -> (i32, i32) {
    %c0_i32 = arith.constant 0 : i32
    %c0_i32_0 = arith.constant 0 : i32
    return %arg0, %c0_i32 : i32, i32
  }
  func.func @transform_1(%arg0: i32) -> (i32, i32) {
    %c0_i32 = arith.constant 0 : i32
    %c0_i32_0 = arith.constant 0 : i32
    %c0_i32_1 = arith.constant 0 : i32
    return %c0_i32, %c0_i32_0 : i32, i32
  }
  func.func @transform_2(%arg0: i32) -> (i32, i32) {
    %c0_i32 = arith.constant 0 : i32
    %c0_i32_0 = arith.constant 0 : i32
    return %arg0, %c0_i32 : i32, i32
  }
}

module attributes {stable_mosaic.version = 14 : i64} {
  func.func @_mlp_body(%arg0: i32, %arg1: memref<2048x256xf32, #tpu.memory_space<vmem>>, %arg2: memref<128x8xf32, #tpu.memory_space<vmem>>, %arg3: memref<8x256xf32, #tpu.memory_space<vmem>>, %arg4: memref<1x256xf32, #tpu.memory_space<vmem>>, %arg5: memref<256x256xf32, #tpu.memory_space<vmem>>, %arg6: memref<1x256xf32, #tpu.memory_space<vmem>>, %arg7: memref<128x256xf32, #tpu.memory_space<vmem>>) attributes {dimension_semantics = [#tpu.dimension_semantics<arbitrary>], iteration_bounds = array<i64: 64>, scalar_prefetch = 0 : i64, scratch_operands = 0 : i64, tpu.core_type = #tpu.core_type<tc>, window_params = [{transform_indices = @transform_0, window_bounds = array<i64: 2048, 256>}, {transform_indices = @transform_1, window_bounds = array<i64: 128, 8>}, {pipeline_mode = #tpu.pipeline_mode<synchronous>, transform_indices = @transform_2, window_bounds = array<i64: 8, 256>}, {pipeline_mode = #tpu.pipeline_mode<synchronous>, transform_indices = @transform_3, window_bounds = array<i64: 1, 256>}, {pipeline_mode = #tpu.pipeline_mode<synchronous>, transform_indices = @transform_4, window_bounds = array<i64: 256, 256>}, {pipeline_mode = #tpu.pipeline_mode<synchronous>, transform_indices = @transform_5, window_bounds = array<i64: 1, 256>}, {transform_indices = @transform_6, window_bounds = array<i64: 128, 256>}]} {
    %get3A = arith.constant 0 : index
    %get3A_0 = arith.constant 0 : index
    %get3A_1 = vector.load %arg1[%get3A, %get3A_0] : memref<2048x256xf32, #tpu.memory_space<vmem>>, vector<2048x256xf32>
    %get3A_2 = arith.constant 0 : index
    %get3A_3 = arith.constant 0 : index
    %get3A_4 = vector.load %arg2[%get3A_2, %get3A_3] : memref<128x8xf32, #tpu.memory_space<vmem>>, vector<128x8xf32>
    %get3A_5 = arith.constant 0 : index
    %get3A_6 = arith.constant 0 : index
    %get3A_7 = vector.load %arg3[%get3A_5, %get3A_6] : memref<8x256xf32, #tpu.memory_space<vmem>>, vector<8x256xf32>
    %dot_general3A = arith.constant dense<0.000000e+00> : vector<128x256xf32>
    %dot_general3A_8 = tpu.matmul %get3A_4, %get3A_7, %dot_general3A {dimension_numbers = #tpu.dot_dimension_numbers<[1], [0], [0], [1], [0, 0, 1, 1], [], []>, transpose_lhs_hint = false} : vector<128x8xf32>, vector<8x256xf32>, vector<128x256xf32> -> vector<128x256xf32>
    %broadcast_in_dim3A = vector.shape_cast %dot_general3A_8 : vector<128x256xf32> to vector<128x1x256xf32>
    %broadcast_in_dim3A_9 = vector.shape_cast %broadcast_in_dim3A : vector<128x1x256xf32> to vector<128x1x256xf32>
    %broadcast_in_dim3A_10 = vector.broadcast %broadcast_in_dim3A_9 : vector<128x1x256xf32> to vector<128x16x256xf32>
    %reshape3A = vector.shape_cast %broadcast_in_dim3A_10 : vector<128x16x256xf32> to vector<2048x256xf32>
    %get3A_11 = arith.constant 0 : index
    %get3A_12 = arith.constant 0 : index
    %get3A_13 = vector.load %arg4[%get3A_11, %get3A_12] : memref<1x256xf32, #tpu.memory_space<vmem>>, vector<1x256xf32>
    %add3A = vector.broadcast %get3A_13 : vector<1x256xf32> to vector<2048x256xf32>
    %add3A_14 = arith.addf %get3A_1, %add3A : vector<2048x256xf32>
    %sub3A = arith.subf %add3A_14, %reshape3A : vector<2048x256xf32>
    %max3A = arith.constant 0.000000e+00 : f32
    %max3A_15 = vector.broadcast %max3A : f32 to vector<2048x256xf32>
    %max3A_16 = arith.maximumf %sub3A, %max3A_15 : vector<2048x256xf32>
    %get3A_17 = arith.constant 0 : index
    %get3A_18 = arith.constant 0 : index
    %get3A_19 = vector.load %arg5[%get3A_17, %get3A_18] : memref<256x256xf32, #tpu.memory_space<vmem>>, vector<256x256xf32>
    %dot_general3A_20 = arith.constant dense<0.000000e+00> : vector<2048x256xf32>
    %dot_general3A_21 = tpu.matmul %max3A_16, %get3A_19, %dot_general3A_20 {dimension_numbers = #tpu.dot_dimension_numbers<[1], [0], [0], [1], [0, 0, 1, 1], [], []>, transpose_lhs_hint = false} : vector<2048x256xf32>, vector<256x256xf32>, vector<2048x256xf32> -> vector<2048x256xf32>
    %reshape3A_22 = vector.shape_cast %dot_general3A_21 : vector<2048x256xf32> to vector<128x16x256xf32>
    %reduce_max3A = arith.constant dense<0xFF800000> : vector<128x256xf32>
    %reduce_max3A_23 = vector.multi_reduction <maximumf>, %reshape3A_22, %reduce_max3A [1] : vector<128x16x256xf32> to vector<128x256xf32>
    %get3A_24 = arith.constant 0 : index
    %get3A_25 = arith.constant 0 : index
    %get3A_26 = vector.load %arg6[%get3A_24, %get3A_25] : memref<1x256xf32, #tpu.memory_space<vmem>>, vector<1x256xf32>
    %add3A_27 = vector.broadcast %get3A_26 : vector<1x256xf32> to vector<128x256xf32>
    %add3A_28 = arith.addf %reduce_max3A_23, %add3A_27 : vector<128x256xf32>
    %swap3A = arith.constant 0 : index
    %swap3A_29 = arith.constant 0 : index
    %swap3A_30 = vector.load %arg7[%swap3A, %swap3A_29] : memref<128x256xf32, #tpu.memory_space<vmem>>, vector<128x256xf32>
    tpu.vector_store %arg7[%swap3A, %swap3A_29], %add3A_28 {strides = array<i32>} : memref<128x256xf32, #tpu.memory_space<vmem>>, vector<128x256xf32>,
    return
  }
  func.func @transform_0(%arg0: i32) -> (i32, i32) {
    %c0_i32 = arith.constant 0 : i32
    %c0_i32_0 = arith.constant 0 : i32
    return %arg0, %c0_i32 : i32, i32
  }
  func.func @transform_1(%arg0: i32) -> (i32, i32) {
    %c0_i32 = arith.constant 0 : i32
    %c0_i32_0 = arith.constant 0 : i32
    return %arg0, %c0_i32 : i32, i32
  }
  func.func @transform_2(%arg0: i32) -> (i32, i32) {
    %c0_i32 = arith.constant 0 : i32
    %c0_i32_0 = arith.constant 0 : i32
    %c0_i32_1 = arith.constant 0 : i32
    return %c0_i32, %c0_i32_0 : i32, i32
  }
  func.func @transform_3(%arg0: i32) -> (i32, i32) {
    %c0_i32 = arith.constant 0 : i32
    %c0_i32_0 = arith.constant 0 : i32
    %c0_i32_1 = arith.constant 0 : i32
    return %c0_i32, %c0_i32_0 : i32, i32
  }
  func.func @transform_4(%arg0: i32) -> (i32, i32) {
    %c0_i32 = arith.constant 0 : i32
    %c0_i32_0 = arith.constant 0 : i32
    %c0_i32_1 = arith.constant 0 : i32
    return %c0_i32, %c0_i32_0 : i32, i32
  }
  func.func @transform_5(%arg0: i32) -> (i32, i32) {
    %c0_i32 = arith.constant 0 : i32
    %c0_i32_0 = arith.constant 0 : i32
    %c0_i32_1 = arith.constant 0 : i32
    return %c0_i32, %c0_i32_0 : i32, i32
  }
  func.func @transform_6(%arg0: i32) -> (i32, i32) {
    %c0_i32 = arith.constant 0 : i32
    %c0_i32_0 = arith.constant 0 : i32
    return %arg0, %c0_i32 : i32, i32
  }
}

</mosaic_0001>

<sc_bundles>
// kernel: kernel.7.cloned.1.call-start
scs
__scs_entry_jumppad:
0x0: {  	(pc) =	sbr.rel $0x88, $3  }
0x1: {  	(tag) =	ssettag $0x0;
	lr =	simm.s32 $0x1  }
0x2: {  	[smem:$0x3F99] =	sst lr;
	_ =	strace $0xD0000000  }
0x3: {  	_ = 	snop  }
0x4: {  	_ = 	snop  }
0x5: {  	_ = 	snop  }
0x6: {  	_ = 	snop  }
0x7: {  	_ = 	snop  }
__scs_overlays_trampoline_lowered:
0x8: {  	[smem:$0x3FA8] =	sst s0  }
0x9: {  	[smem:$0x3FA9] =	sst s1  }
0xa: {  	[smem:$0x3FAA] =	sst s2  }
0xb: {  	[smem:$0x3FAB] =	sst s3  }
0xc: {  	[smem:$0x3FAC] =	sst s4  }
0xd: {  	[smem:$0x3FAD] =	sst s5  }
0xe: {  	[smem:$0x3FAE] =	sst s6  }
0xf: {  	[smem:$0x3FAF] =	sst s7  }
0x10: {  	[smem:$0x3FB0] =	sst s8  }
0x11: {  	[smem:$0x3FB1] =	sst s9;
	s0 =	simm.s32 @!p0 $0x0  }
0x12: {  	s1 =	sld [smem:$0x3F97];
	s0 =	simm.s32 @p0 $0x1  }
0x13: {  	[smem:$0x3FB2] =	sst s0;
	s0 =	simm.s32 @!p1 $0x0  }
0x14: {  	s2 =	sld [smem:$0x3F96];
	s0 =	simm.s32 @p1 $0x1  }
0x15: {  	[smem:$0x3FB3] =	sst s0;
	s0 =	simm.s32 @!p2 $0x0  }
0x16: {  	s3 =	sld [smem:$0x3FDB];
	s0 =	simm.s32 @p2 $0x1  }
0x17: {  	s4 =	simm.s32 $0x1BF5;
	[smem:$0x3FB5] =	sst s0  }
0x18: {  	s0 =	sld [smem:$0x3F98];
	_ =	swait.ge [sflag:s4], $0x0  }
0x19: {  	s7 =	sld [smem:$0x3F99]  }
0x1a: {  	s8 =	sadd.s32 $0xFFFFE003, lr  }
0x1b: {  	s9 =	sadd.s32 $0xFFFFFEF7, lr;
	s5 =	simm.s32 $0xFFFFFFFF;
	p2 =	slt.u32 s8, $0xFFFFF086  }
0x1c: {  	p1 =	slt.u32 s9, $0xF7A;
	s5 =	simm.s32 @!p2 $0x0  }
0x1d: {  	s5 =	simm.s32 @p1 $0x1;
	p0 =	seq.s32 s7, s2  }
0x1e: {  	s7 =	smul.u32 @!p0 $0xF7A, s2;
	p2 =	seq.s32 @!p0 s5, $0x0  }
0x1f: {  	s9 =	smul.u32 $0xF7A, s1;
	s8 =	simm.s32 @!p0 $0x1BF5;
	p2 =	por !p2, p0  }
0x20: {  	[sflag:s8] =	ssyncset.s32 @!p0 $0xFFFFF086;
	s6 =	sadd.s32 @!p0 s3, s7;
	s7 =	simm.s32 @!p0 $0x108  }
0x21: {  	s3 =	sadd.s32 s3, s9;
	s6 =	sadd.s32 @!p0 $0x88, s6;
	s7 =	simm.s32 @p2 $0x1082  }
0x22: {  	[simem:s7], [sflag:s8] =	dma.local @!p0 [hbm:s6], $0xF7A  }
0x23: {  	s9 =	sor.u32 $0xD0000000, s2;
	s6 =	simm.s32 $0x108;
	_ =	swait.ge @!p0 [sflag:s8], $0x0  }
0x24: {  	s3 =	sadd.s32 $0x88, s3;
	s6 =	simm.s32 @!p1 $0x1082;
	[sflag:s4] =	ssyncset.s32 $0xFFFFF086  }
0x25: {  	[simem:s6], [sflag:s4] =	dma.local [hbm:s3], $0xF7A  }
0x26: {  	[smem:$0x3F99] =	sst s1;
	(tag) =	ssettag s2;
	_ =	strace s9  }
0x27: {  	s1 =	sld [smem:$0x3FA9]  }
0x28: {  	s2 =	sld [smem:$0x3FAA]  }
0x29: {  	s4 =	sld [smem:$0x3FAC]  }
0x2a: {  	p0 =	seq.s32 s5, $0x0;
	s5 =	sld [smem:$0x3FAD]  }
0x2b: {  	s6 =	sld [smem:$0x3FAE]  }
0x2c: {  	s7 =	sld [smem:$0x3FAF]  }
0x2d: {  	s3 =	simm.s32 $0x108;
	s8 =	sld [smem:$0x3FB0]  }
0x2e: {  	s3 =	simm.s32 @!p0 $0x1082;
	s9 =	sld [smem:$0x3FB1]  }
0x2f: {  	lr =	sadd.s32 s0, s3;
	s0 =	sld [smem:$0x3FA8]  }
0x30: {  	s3 =	sld [smem:$0x3FAB]  }
0x31: {  	[smem:$0x3FB4] =	sst s10  }
0x32: {  	s10 =	sld [smem:$0x3FB2];
	_ =	sdelay $0x3  }
0x33: {  	p0 =	seq.s32 s10, $0x1;
	s10 =	sld [smem:$0x3FB4];
	_ =	sdelay $0x3  }
0x34: {  	[smem:$0x3FB4] =	sst s10  }
0x35: {  	s10 =	sld [smem:$0x3FB3];
	_ =	sdelay $0x3  }
0x36: {  	p1 =	seq.s32 s10, $0x1;
	s10 =	sld [smem:$0x3FB4];
	_ =	sdelay $0x3  }
0x37: {  	[smem:$0x3FB4] =	sst s10  }
0x38: {  	s10 =	sld [smem:$0x3FB5]  }
0x39: {  	_ = 	snop;
	(pc) =	sbr.ind lr, $3  }
0x3a: {  	_ = 	snop  }
0x3b: {  	_ = 	snop  }
0x3c: {  	p2 =	seq.s32 s10, $0x1;
	s10 =	sld [smem:$0x3FB4]  }
0x3d: {  	_ =	shalt  }
0x3e: {  	_ =	shalt  }
0x3f: {  	_ =	shalt  }
0x40: {  	_ =	shalt  }
0x41: {  	_ =	shalt  }
0x42: {  	_ =	shalt  }
0x43: {  	_ =	shalt  }
0x44: {  	_ =	shalt  }
0x45: {  	_ =	shalt  }
0x46: {  	_ =	shalt  }
0x47: {  	_ =	shalt  }
0x48: {  	_ =	shalt  }
0x49: {  	_ =	shalt  }
0x4a: {  	_ =	shalt  }
0x4b: {  	_ =	shalt  }
0x4c: {  	_ =	shalt  }
0x4d: {  	_ =	shalt  }
0x4e: {  	_ =	shalt  }
0x4f: {  	_ =	shalt  }
0x50: {  	_ =	shalt  }
0x51: {  	_ =	shalt  }
0x52: {  	_ =	shalt  }
0x53: {  	_ =	shalt  }
0x54: {  	_ =	shalt  }
0x55: {  	_ =	shalt  }
0x56: {  	_ =	shalt  }
0x57: {  	_ =	shalt  }
0x58: {  	_ =	shalt  }
0x59: {  	_ =	shalt  }
0x5a: {  	_ =	shalt  }
0x5b: {  	_ =	shalt  }
0x5c: {  	_ =	shalt  }
0x5d: {  	_ =	shalt  }
0x5e: {  	_ =	shalt  }
0x5f: {  	_ =	shalt  }
0x60: {  	_ =	shalt  }
0x61: {  	_ =	shalt  }
0x62: {  	_ =	shalt  }
0x63: {  	_ =	shalt  }
0x64: {  	_ =	shalt  }
0x65: {  	_ =	shalt  }
0x66: {  	_ =	shalt  }
0x67: {  	_ =	shalt  }
0x68: {  	_ =	shalt  }
0x69: {  	_ =	shalt  }
0x6a: {  	_ =	shalt  }
0x6b: {  	_ =	shalt  }
0x6c: {  	_ =	shalt  }
0x6d: {  	_ =	shalt  }
0x6e: {  	_ =	shalt  }
0x6f: {  	_ =	shalt  }
0x70: {  	_ =	shalt  }
0x71: {  	_ =	shalt  }
0x72: {  	_ =	shalt  }
0x73: {  	_ =	shalt  }
0x74: {  	_ =	shalt  }
0x75: {  	_ =	shalt  }
0x76: {  	_ =	shalt  }
0x77: {  	_ =	shalt  }
0x78: {  	_ =	shalt  }
0x79: {  	_ =	shalt  }
0x7a: {  	_ =	shalt  }
0x7b: {  	_ =	shalt  }
0x7c: {  	_ =	shalt  }
0x7d: {  	_ =	shalt  }
0x7e: {  	_ =	shalt  }
0x7f: {  	_ =	shalt  }
0x80: {  	_ =	shalt  }
0x81: {  	_ =	shalt  }
0x82: {  	_ =	shalt  }
0x83: {  	_ =	shalt  }
0x84: {  	_ =	shalt  }
0x85: {  	_ =	shalt  }
0x86: {  	_ =	shalt  }
0x87: {  	_ =	shalt  }
.Lfunc_end0:
.L_simem_size_0:
called_computation_lowered:
.L_overlay_start_0:
0x88: {  	s2 =	sld [smem:$0x3FD9]  }
0x89: {  	s3 =	sld [smem:$0x3FFE];
	_ =	sdelay $0x1  }
0x8a: {  	s1 =	srdreg.scid  }
0x8b: {  	s0 =	sand.u32 $0x1, s1  }
0x8c: {  	s14 =	sshll.u32 s0, $0xA;
	s2 =	sadd.s32 s3, s2  }
0x8d: {  	s2 =	sadd.s32 s2, s14  }
0x8e: {  	[smem:$0x3FC0] =	sst s2  }
0x8f: {  	_ = 	snop  }
0x90: {  	s2 =	sld [smem:$0x3FD0];
	_ =	sdelay $0x2  }
0x91: {  	s15 =	simm.s32 $0xA;
	s4 =	simm.s32 $0x10  }
0x92: {  	[smem:s4], [sflag:s15] =	dma.local [hbm:s2], $0x1  }
0x93: {  	_ =	swait.eq [sflag:s15], $0x1  }
0x94: {  	[sflag:s15] =	ssyncset.done $0x0  }
0x95: {  	[sflag:s15] =	ssyncadd.s32 $0xFFFFFFFF  }
0x96: {  	s16 =	sld [smem:$0x12];
	(tm) =	ssettm $0x1  }
0x97: {  	s17 =	sld [smem:$0x3FFB];
	_ =	sdelay $0x3  }
0x98: {  	_ =	strace s17  }
0x99: {  	s3 =	sld [smem:$0x3FFC];
	_ =	sdelay $0x3  }
0x9a: {  	_ =	strace s3  }
0x9b: {  	s3 =	sld [smem:$0x3FFD];
	_ =	sdelay $0x3  }
0x9c: {  	_ =	strace s3  }
0x9d: {  	_ =	strace $0x8FFFFFFF  }
0x9e: {  	s18 =	sld [smem:$0x3FDB];
	_ =	sdelay $0x1  }
0x9f: {  	s19 =	simm.s32 $_scs_section_size  }
0xa0: {  	s5 =	simm.s32 $_size__tile_overlayer_lowered;
	s6 =	simm.s32 $_tile_overlayer_lowered  }
0xa1: {  	s22 =	simm.s32 $0x1BFF;
	s21 =	sshll.u32 s6, $0x1;
	s3 =	sadd.s32 s19, s18  }
0xa2: {  	s7 =	simm.s32 $0x0;
	s20 =	sshll.u32 s5, $0x1;
	s5 =	sadd.s32 s21, s3  }
0xa3: {  	[timem:s7], [sflag:s22] =	dma.local [hbm:s5], s20  }
0xa4: {  	_ =	swait.ge [sflag:s22], s20  }
0xa5: {  	s4 =	ssub.s32 $0x0, s20;
	[sflag:s22] =	ssyncset.done $0x0  }
0xa6: {  	[sflag:s22] =	ssyncadd.s32 s4;
	_ =	sdelay $0x1  }
0xa7: {  	s23 =	simm.s32 $0x1B8B  }
0xa8: {  	_ =	swait.ge [sflag:s23], $0x1  }
0xa9: {  	[sflag:s23] =	ssyncset.done $0x0  }
0xaa: {  	s25 =	simm.s32 $0x1B8E;
	s24 =	sld [smem:$0x3FFE];
	[sflag:s23] =	ssyncadd.s32 $0xFFFFFFFF  }
0xab: {  	s26 =	simm.s32 $execute0_lowered;
	[smem:$0x3FD2] =	sst s25  }
0xac: {  	s5 =	sshll.u32 s26, $0x1;
	_ =	strace $0x80000046;
	[dreg:$0x1] =	wrdreg $0xFFFFFFFF  }
0xad: {  	s28 =	simm.s32 $_size_execute0_lowered;
	s3 =	sadd.s32 s3, s5;
	[dreg:$0x0] =	wrdreg $0x0  }
0xae: {  	s5 =	sshll.u32 s28, $0x1;
	[dreg:$0x2] =	wrdreg s3  }
0xaf: {  	[dreg:$0x3] =	wrdreg s5  }
0xb0: {  	[dreg:$0x4] =	wrdreg $0xC0  }
0xb1: {  	_ =	task [dreg:s7], $0x5FFFF  }
0xb2: {  	[dreg:$0x1] =	wrdreg $0xFFFFFFFF  }
0xb3: {  	[dreg:$0x0] =	wrdreg $0x60  }
0xb4: {  	[dreg:$0x2] =	wrdreg s24  }
0xb5: {  	[dreg:$0x3] =	wrdreg s16  }
0xb6: {  	[dreg:$0x4] =	wrdreg $0x9  }
0xb7: {  	_ =	task.clear_ibuf [dreg:s7], $0x5FFFF;
	_ =	strace $0x90000046  }
0xb8: {  	s29 =	simm.s32 $0x9;
	_ =	strace $0x80000048  }
0xb9: {  	_ =	swait.ge [sflag:s29], $0x1  }
0xba: {  	[sflag:s29] =	ssyncadd.s32 $0xFFFFFFFF  }
0xbb: {  	_ =	strace $0x90000048  }
0xbc: {  	_ =	sfence  }
0xbd: {  	s30 =	sld [smem:$0x0];
	_ =	sdelay $0x2  }
0xbe: {  	s31 =	sshll.u32 s1, $0xD;
	s1 =	sshrl.u32 s1, $0x2  }
0xbf: {  	s3 =	sand.u32 $0x4000, s31;
	s1 =	sadd.s32 s1, s30  }
0xc0: {  	s0 =	sor.u32 s3, s0;
	s1 =	sshll.u32 s1, $0x11  }
0xc1: {  	s0 =	sor.u32 s1, s0  }
0xc2: {  	s0 =	sadd.s32 $0x8F2B, s0  }
0xc3: {  	[sflag:s0] =	ssyncadd.remote.s32 $0x1  }
0xc4: {  	_ =	sfence.sel $0xFFFF  }
0xc5: {  	[dreg:$0x0] =	wrdreg $0xFFFFFFFF;
	(pc) =	sbr.abs _section_cstart, $3  }
0xc6: {  	[dreg:$0x1] =	wrdreg $0xFFFFFFFF  }
0xc7: {  	_ =	task.clear_ibuf [dreg:s7], $0x2FFFF;
	_ =	strace $0x9FFFFFFF  }
0xc8: {  	(tm) =	ssettm $0x7FFFFFFF  }
0xc9: {  	_ =	shalt  }
tec
execute0_lowered:
.L_overlay_start_1:
0x0: {  	(tag) =	ssettag $0x1  }
0x1: {  	s4 =	rddreg [dreg:$0x0]  }
0x2: {  	s5 =	rddreg [dreg:$0x1]  }
0x3: {  	s0 =	rddreg [dreg:$0x2]  }
0x4: {  	s2 =	simm.s32 $0x0;
	s1 =	stileid.u32;
	s7 =	srdreg.scid  }
0x5: {  	s11 =	simm.s32 $0x2800;
	s12 =	simm.s32 $0x3000;
	s13 =	simm.s32 $0x3800  }
0x6: {  	s14 =	simm.s32 $0x4000;
	s15 =	simm.s32 $0x4800;
	s16 =	simm.s32 $0x5000  }
0x7: {  	s17 =	simm.s32 $0x5800;
	s18 =	simm.s32 $0x6000;
	s19 =	simm.s32 $0x6800  }
0x8: {  	s20 =	simm.s32 $0x7000;
	s21 =	simm.s32 $0x7800;
	s22 =	simm.s32 $0x8000  }
0x9: {  	s23 =	simm.s32 $0x8800;
	s24 =	simm.s32 $0x1;
	s25 =	simm.s32 $0x0  }
0xa: {  	[smem:$0x7FF] =	sst s2;
	s6 =	sshll.u32 s1, $0x12;
	s3 =	sadd.s32 $0x103400, s4  }
0xb: {  	s30 =	sand.u32 $0x1, s7;
	s8 =	sshll.u32 s1, $0xA;
	_ =	strace $0x80000047  }
0xc: {  	s6 =	sadd.s32 s6, s4;
	s7 =	ssub.s32 $0x2, s30;
	s9 =	sshll.u32 s30, $0x9  }
0xd: {  	s31 =	sshll.u32 s30, $0x11;
	s10 =	sshrl.u32 s7, $0x1;
	s8 =	sor.u32 s9, s8  }
0xe: {  	v2 =	vlaneseq.u32;
	s6 =	sadd.s32 s31, s6;
	s9 =	simm.s32 $0x1800;
	s7 =	ssub.s32 s7, s10  }
0xf: {  	vm0 =	vmmov $0xffff;
	v1 =	vshrl.u32 v2, $0x3;
	s4 =	sadd.s32 s5, s8;
	s6 =	sadd.s32 $0x203400, s6;
	s8 =	simm.s32 $0x1000  }
0x10: {  	v0 =	vand.u32 $0x7, v2;
	v2 =	vor.u32 $0x8, v2;
	v1 =	vmul.u32 $0x8, v1;
	s10 =	simm.s32 $0x2000;
	s5 =	smax.u32 s7, $0x1;
	s7 =	simm.s32 $0x2  }
.LBB2_1:
0x11: {  	[tilespmem:s2], [sflag:$0x2] =	stream.linear.gather [hbm4b:s4+s2], $0x1000, $0x38;
	[tilespmem:$0x9000] =	vst v63  }
0x12: {  	_ =	swait.ge [sflag:s7], $0x1000  }
0x13: {  	[sflag:s7] =	ssyncset.done $0x0  }
0x14: {  	s26 =	simm.s32 $0x40;
	s28 =	simm.s32 $0x0;
	[sflag:s7] =	ssyncadd.s32 $0xFFFFF000  }
.LBB2_2:
0x15: {  	v3 =	vld [tilespmem:s26+$0xFFFFFFC0];
	_ =	sdelay $0x4  }
0x16: {  	v4 =	vshll.u32 v3, $0x1  }
0x17: {  	v3 =	vand.u32 $0x7, v3;
	v4 =	vand.u32 $0xFFFFFFF0, v4  }
0x18: {  	v3 =	vor.u32 v3, v4  }
0x19: {  	v4 =	vperm.xlane v3, v0;
	_ =	sdelay $0x1  }
0x1a: {  	v3 =	vperm.xlane v3, v2;
	v4 =	vadd.s32 v1, v4;
	_ =	sdelay $0x1  }
0x1b: {  	v3 =	vadd.s32 v1, v3;
	_ =	sdelay $0x2  }
0x1c: {  	[tilespmem:s8], [sflag:$0x1] =	stream.indirect_vreg.gather [hbm4b:s3+s2], $0x80, v4, vm0, $0xb8;
	[tilespmem:$0x9000] =	vst v63  }
0x1d: {  	_ = 	snop  }
0x1e: {  	[tilespmem:s9], [sflag:$0x1] =	stream.indirect_vreg.gather [hbm4b:s3+s2], $0x80, v3, vm0, $0xb8;
	[tilespmem:$0x9000] =	vst v63  }
0x1f: {  	v3 =	vld [tilespmem:s26+$0xFFFFFFD0];
	_ =	sdelay $0x4  }
0x20: {  	v57 =	vshll.u32 v3, $0x1  }
0x21: {  	v3 =	vand.u32 $0x7, v3;
	v4 =	vand.u32 $0xFFFFFFF0, v57  }
0x22: {  	v3 =	vor.u32 v3, v4  }
0x23: {  	v4 =	vperm.xlane v3, v0;
	_ =	sdelay $0x1  }
0x24: {  	v3 =	vperm.xlane v3, v2;
	v4 =	vadd.s32 v1, v4;
	_ =	sdelay $0x1  }
0x25: {  	v3 =	vadd.s32 v1, v3;
	_ =	sdelay $0x2  }
0x26: {  	[tilespmem:s10], [sflag:$0x1] =	stream.indirect_vreg.gather [hbm4b:s3+s2], $0x80, v4, vm0, $0xb8;
	[tilespmem:$0x9000] =	vst v63  }
0x27: {  	_ = 	snop  }
0x28: {  	[tilespmem:s11], [sflag:$0x1] =	stream.indirect_vreg.gather [hbm4b:s3+s2], $0x80, v3, vm0, $0xb8;
	[tilespmem:$0x9000] =	vst v63  }
0x29: {  	v3 =	vld [tilespmem:s26+$0xFFFFFFE0];
	_ =	sdelay $0x4  }
0x2a: {  	v58 =	vshll.u32 v3, $0x1  }
0x2b: {  	v3 =	vand.u32 $0x7, v3;
	v4 =	vand.u32 $0xFFFFFFF0, v58  }
0x2c: {  	v3 =	vor.u32 v3, v4  }
0x2d: {  	v4 =	vperm.xlane v3, v0;
	_ =	sdelay $0x1  }
0x2e: {  	v3 =	vperm.xlane v3, v2;
	v4 =	vadd.s32 v1, v4;
	_ =	sdelay $0x1  }
0x2f: {  	v3 =	vadd.s32 v1, v3;
	_ =	sdelay $0x2  }
0x30: {  	[tilespmem:s12], [sflag:$0x1] =	stream.indirect_vreg.gather [hbm4b:s3+s2], $0x80, v4, vm0, $0xb8;
	[tilespmem:$0x9000] =	vst v63  }
0x31: {  	_ = 	snop  }
0x32: {  	[tilespmem:s13], [sflag:$0x1] =	stream.indirect_vreg.gather [hbm4b:s3+s2], $0x80, v3, vm0, $0xb8;
	[tilespmem:$0x9000] =	vst v63  }
0x33: {  	v3 =	vld [tilespmem:s26+$0xFFFFFFF0];
	_ =	sdelay $0x4  }
0x34: {  	v59 =	vshll.u32 v3, $0x1  }
0x35: {  	v3 =	vand.u32 $0x7, v3;
	v4 =	vand.u32 $0xFFFFFFF0, v59  }
0x36: {  	v3 =	vor.u32 v3, v4  }
0x37: {  	v4 =	vperm.xlane v3, v0;
	_ =	sdelay $0x1  }
0x38: {  	v3 =	vperm.xlane v3, v2;
	v4 =	vadd.s32 v1, v4;
	_ =	sdelay $0x1  }
0x39: {  	v3 =	vadd.s32 v1, v3;
	_ =	sdelay $0x2  }
0x3a: {  	[tilespmem:s14], [sflag:$0x1] =	stream.indirect_vreg.gather [hbm4b:s3+s2], $0x80, v4, vm0, $0xb8;
	[tilespmem:$0x9000] =	vst v63  }
0x3b: {  	_ = 	snop  }
0x3c: {  	[tilespmem:s15], [sflag:$0x1] =	stream.indirect_vreg.gather [hbm4b:s3+s2], $0x80, v3, vm0, $0xb8;
	[tilespmem:$0x9000] =	vst v63  }
0x3d: {  	v3 =	vld [tilespmem:s26+$0x0];
	_ =	sdelay $0x4  }
0x3e: {  	v60 =	vshll.u32 v3, $0x1  }
0x3f: {  	v3 =	vand.u32 $0x7, v3;
	v4 =	vand.u32 $0xFFFFFFF0, v60  }
0x40: {  	v3 =	vor.u32 v3, v4  }
0x41: {  	v4 =	vperm.xlane v3, v0;
	_ =	sdelay $0x1  }
0x42: {  	v3 =	vperm.xlane v3, v2;
	v4 =	vadd.s32 v1, v4;
	_ =	sdelay $0x1  }
0x43: {  	v3 =	vadd.s32 v1, v3;
	_ =	sdelay $0x2  }
0x44: {  	[tilespmem:s16], [sflag:$0x1] =	stream.indirect_vreg.gather [hbm4b:s3+s2], $0x80, v4, vm0, $0xb8;
	[tilespmem:$0x9000] =	vst v63  }
0x45: {  	_ = 	snop  }
0x46: {  	[tilespmem:s17], [sflag:$0x1] =	stream.indirect_vreg.gather [hbm4b:s3+s2], $0x80, v3, vm0, $0xb8;
	[tilespmem:$0x9000] =	vst v63  }
0x47: {  	v3 =	vld [tilespmem:s26+$0x10];
	_ =	sdelay $0x4  }
0x48: {  	v61 =	vshll.u32 v3, $0x1  }
0x49: {  	v3 =	vand.u32 $0x7, v3;
	v4 =	vand.u32 $0xFFFFFFF0, v61  }
0x4a: {  	v3 =	vor.u32 v3, v4  }
0x4b: {  	v4 =	vperm.xlane v3, v0;
	_ =	sdelay $0x1  }
0x4c: {  	v3 =	vperm.xlane v3, v2;
	v4 =	vadd.s32 v1, v4;
	_ =	sdelay $0x1  }
0x4d: {  	v3 =	vadd.s32 v1, v3;
	_ =	sdelay $0x2  }
0x4e: {  	[tilespmem:s18], [sflag:$0x1] =	stream.indirect_vreg.gather [hbm4b:s3+s2], $0x80, v4, vm0, $0xb8;
	[tilespmem:$0x9000] =	vst v63  }
0x4f: {  	_ = 	snop  }
0x50: {  	[tilespmem:s19], [sflag:$0x1] =	stream.indirect_vreg.gather [hbm4b:s3+s2], $0x80, v3, vm0, $0xb8;
	[tilespmem:$0x9000] =	vst v63  }
0x51: {  	v3 =	vld [tilespmem:s26+$0x20];
	_ =	sdelay $0x4  }
0x52: {  	v62 =	vshll.u32 v3, $0x1  }
0x53: {  	v3 =	vand.u32 $0x7, v3;
	v4 =	vand.u32 $0xFFFFFFF0, v62  }
0x54: {  	v3 =	vor.u32 v3, v4  }
0x55: {  	v4 =	vperm.xlane v3, v0;
	_ =	sdelay $0x1  }
0x56: {  	v3 =	vperm.xlane v3, v2;
	v4 =	vadd.s32 v1, v4;
	_ =	sdelay $0x1  }
0x57: {  	v3 =	vadd.s32 v1, v3;
	_ =	sdelay $0x2  }
0x58: {  	[tilespmem:s20], [sflag:$0x1] =	stream.indirect_vreg.gather [hbm4b:s3+s2], $0x80, v4, vm0, $0xb8;
	[tilespmem:$0x9000] =	vst v63  }
0x59: {  	_ = 	snop  }
0x5a: {  	[tilespmem:s21], [sflag:$0x1] =	stream.indirect_vreg.gather [hbm4b:s3+s2], $0x80, v3, vm0, $0xb8;
	[tilespmem:$0x9000] =	vst v63  }
0x5b: {  	v3 =	vld [tilespmem:s26+$0x30];
	_ =	sdelay $0x4  }
0x5c: {  	v63 =	vshll.u32 v3, $0x1  }
0x5d: {  	v3 =	vand.u32 $0x7, v3;
	v4 =	vand.u32 $0xFFFFFFF0, v63  }
0x5e: {  	v3 =	vor.u32 v3, v4  }
0x5f: {  	v4 =	vperm.xlane v3, v0;
	_ =	sdelay $0x1  }
0x60: {  	v3 =	vperm.xlane v3, v2;
	v4 =	vadd.s32 v1, v4;
	_ =	sdelay $0x1  }
0x61: {  	v3 =	vadd.s32 v1, v3;
	_ =	sdelay $0x2  }
0x62: {  	[tilespmem:s22], [sflag:$0x1] =	stream.indirect_vreg.gather [hbm4b:s3+s2], $0x80, v4, vm0, $0xb8;
	[tilespmem:$0x9000] =	vst v63  }
0x63: {  	_ = 	snop  }
0x64: {  	[tilespmem:s23], [sflag:$0x1] =	stream.indirect_vreg.gather [hbm4b:s3+s2], $0x80, v3, vm0, $0xb8;
	[tilespmem:$0x9000] =	vst v63  }
0x65: {  	_ =	swait.ge [sflag:s24], $0x8000  }
0x66: {  	p0 =	sne.s32 s28, $0x1F000;
	[sflag:s24] =	ssyncset.done $0x0  }
.Ltmp0:
0x67: {  	s29 =	sadd.s32 s28, s6;
	[sflag:s24] =	ssyncadd.s32 $0xFFFF8000;
	(pc) =	sbr.rel @p0 .LBB2_2-.Ltmp0, $4  }
0x68: {  	[hbm4b:s29+s2] =	stream.linear.scatter [tilespmem:s8], [sflag:$0x2], $0x8000, $0x38;
	[tilespmem:$0x9000] =	vst v63  }
0x69: {  	_ =	swait.ge [sflag:s7], $0x8000  }
0x6a: {  	[sflag:s7] =	ssyncset.done $0x0  }
0x6b: {  	s28 =	sadd.s32 $0x1000, s28;
	s26 =	sadd.s32 $0x80, s26;
	[sflag:s7] =	ssyncadd.s32 $0xFFFF8000  }
0x6c: {  	s25 =	sadd.s32 $0x1, s25  }
0x6d: {  	p0 =	sne.s32 s25, s5  }
.Ltmp1:
0x6e: {  	_ = 	snop;
	(pc) =	sbr.rel @p0 .LBB2_1-.Ltmp1, $1  }
0x6f: {  	_ =	sdelay $0x3  }
0x70: {  	_ =	sfence.sel $0x180000  }
0x71: {  	[bflag:$0x0] =	sbarrier.arrive $0xFFFF  }
0x72: {  	p0 =	sne.s32 s1, $0x0;
	_ =	strace $0x90000047  }
0x73: {  	s0 =	sadd.s32 @!p0 $0x100000, s0;
	[bflag:$0x2] =	sbarrier.arrive $0xFFFF  }
0x74: {  	[sflag:s0] =	ssyncadd.tile.s32 @!p0 $0x1;
	_ =	shalt  }
.Lfunc_end2:
_tile_overlayer_lowered:
.L_overlay_start_2:
0x75: {  	(tag) =	ssettag $0x2  }
0x76: {  	s0 =	rddreg [dreg:$0x0];
	s2 =	stileid.u32  }
0x77: {  	s1 =	rddreg [dreg:$0x1];
	p0 =	sne.s32 s2, $0x0  }
0x78: {  	s3 =	rddreg [dreg:$0x2];
	[bflag:$0x3] =	sbarrier.arrive $0xFFFF;
	s2 =	simm.s32 @!p0 $0x1C02  }
0x79: {  	[timem:s3], [sflag:s2] =	dma.local @!p0 [hbm:s0], s1  }
0x7a: {  	s0 =	simm.s32 @!p0 $0x2  }
0x7b: {  	_ =	swait.ge @!p0 [sflag:s0], s1  }
0x7c: {  	s1 =	ssub.s32 @!p0 $0x0, s1;
	[sflag:s0] =	ssyncset.done @!p0 $0x0  }
0x7d: {  	[sflag:s0] =	ssyncadd.s32 @!p0 s1  }
0x7e: {  	[bflag:$0x3] =	sbarrier.arrive $0xFFFF  }
0x7f: {  	_ =	shalt  }

</sc_bundles>
